<compile_context>
chip_gen: v7x
topology: tpu7x:2x2x1
jax: 0.10.2.dev20260603
libtpu: 0.0.44.dev20260713+nightly
codegen_flags: <defaults>
</compile_context>

<pallas_src>
import functools

import jax
import jax.numpy as jnp
from jax import lax
from jax.experimental import pallas as pl
from jax.experimental.pallas import tpu as pltpu
from jax.experimental.pallas import tpu_sc as plsc

_B, _N, _S, _K = 4, 8192, 2048, 16
_CIN = 35
_CPAD = 48
_C1 = 64
_TSK = 128
_TM = 2048
_M = _B * _S * _K
_NW = 32
_PERW = _M // _NW
_CH = 128
_NCH = _PERW // _CH



def _fps_body(xt_ref, cx_ref, cy_ref, cz_ref, dist_ref):
    x = xt_ref[0]
    y = xt_ref[1]
    z = xt_ref[2]
    lane = lax.broadcasted_iota(jnp.int32, (_B, _N), 1)
    lane128 = lax.broadcasted_iota(jnp.int32, (_B, 128), 1)
    dist_ref[...] = jnp.full((_B, _N), 1e10, jnp.float32)
    zbuf = jnp.zeros((_B, 128), jnp.float32)

    def outer(blk, far0):
        def inner(j, carry):
            far, bx, by, bz = carry
            sel = lane == far
            cx = jnp.sum(jnp.where(sel, x, 0.0), axis=1, keepdims=True)
            cy = jnp.sum(jnp.where(sel, y, 0.0), axis=1, keepdims=True)
            cz = jnp.sum(jnp.where(sel, z, 0.0), axis=1, keepdims=True)
            ins = lane128 == j
            bx = jnp.where(ins, cx, bx)
            by = jnp.where(ins, cy, by)
            bz = jnp.where(ins, cz, bz)
            dx = x - cx
            dy = y - cy
            dz = z - cz
            d = dx * dx + dy * dy + dz * dz
            dist = jnp.minimum(dist_ref[...], d)
            dist_ref[...] = dist
            m = jnp.max(dist, axis=1, keepdims=True)
            far = jnp.min(jnp.where(dist == m, lane, _N), axis=1,
                          keepdims=True).astype(jnp.int32)
            return far, bx, by, bz

        far, bx, by, bz = lax.fori_loop(0, 128, inner,
                                        (far0, zbuf, zbuf, zbuf))
        base = pl.multiple_of(blk * 128, 128)
        cx_ref[:, pl.ds(base, 128)] = bx
        cy_ref[:, pl.ds(base, 128)] = by
        cz_ref[:, pl.ds(base, 128)] = bz
        return far

    lax.fori_loop(0, _S // 128, outer, jnp.zeros((_B, 1), jnp.int32))


def _fps(xt):
    return pl.pallas_call(
        _fps_body,
        out_shape=[jax.ShapeDtypeStruct((_B, _S), jnp.float32)] * 3,
        scratch_shapes=[pltpu.VMEM((_B, _N), jnp.float32)],
    )(xt)



def _knn_body(xtb_ref, nx_ref, gidx_ref):
    b = pl.program_id(0)
    xn = xtb_ref[0]
    xs = nx_ref[0]
    n2 = jnp.sum(xn * xn, axis=0, keepdims=True)
    s2c = lax.dot_general(xs * xs, jnp.ones((3, 1), jnp.float32),
                          (((0,), (0,)), ((), ())),
                          preferred_element_type=jnp.float32)
    prod = lax.dot_general(xs, xn, (((0,), (0,)), ((), ())),
                           preferred_element_type=jnp.float32)
    d = (n2 + s2c) - 2.0 * prod
    imax = jnp.int32(0x7FFFFFFF)
    m1 = jnp.full((_TSK, 128), imax)
    m2 = jnp.full((_TSK, 128), imax)
    m3 = jnp.full((_TSK, 128), imax)
    m4 = jnp.full((_TSK, 128), imax)
    for j in range(_N // 128):
        t = (lax.bitcast_convert_type(d[:, j * 128:(j + 1) * 128], jnp.int32)
             & jnp.int32(-64)) | jnp.int32(j)
        lo = jnp.minimum(m1, t)
        t = jnp.maximum(m1, t)
        m1 = lo
        lo = jnp.minimum(m2, t)
        t = jnp.maximum(m2, t)
        m2 = lo
        lo = jnp.minimum(m3, t)
        t = jnp.maximum(m3, t)
        m3 = lo
        m4 = jnp.minimum(m4, t)
    lane128b = lax.broadcasted_iota(jnp.int32, (_TSK, 128), 1)
    lane16 = lax.broadcasted_iota(jnp.int32, (_TSK, _K), 1)
    acc = jnp.zeros((_TSK, _K), jnp.int32)
    kprev = jnp.full((_TSK, 1), jnp.int32(-2147483648))
    for k in range(_K):
        c1 = jnp.where(m1 > kprev, m1, imax)
        c2 = jnp.where(m2 > kprev, m2, imax)
        c3 = jnp.where(m3 > kprev, m3, imax)
        c4 = jnp.where(m4 > kprev, m4, imax)
        cm = jnp.minimum(jnp.minimum(c1, c2), jnp.minimum(c3, c4))
        vmin = jnp.min(cm, axis=1, keepdims=True)
        l = jnp.min(jnp.where(cm == vmin, lane128b, _N),
                    axis=1, keepdims=True)
        acc = jnp.where(lane16 == k, (vmin & 63) * 128 + l, acc)
        kprev = vmin
    gidx_ref[0] = acc + b * _N


def _knn(xtb, nxb):
    return pl.pallas_call(
        _knn_body,
        grid=(_B, _S // _TSK),
        in_specs=[
            pl.BlockSpec((1, 3, _N), lambda b, t: (b, 0, 0)),
            pl.BlockSpec((1, 3, _TSK), lambda b, t: (b, 0, t)),
        ],
        out_specs=pl.BlockSpec((1, _TSK, _K), lambda b, t: (b, t, 0)),
        out_shape=jax.ShapeDtypeStruct((_B, _S, _K), jnp.int32),
    )(xtb, nxb)



def _sc_gather(tab, gidx2d):
    mesh = plsc.VectorSubcoreMesh(core_axis_name="c", subcore_axis_name="s")

    @functools.partial(
        pl.kernel,
        out_type=jax.ShapeDtypeStruct((_M, _CPAD), jnp.float32),
        mesh=mesh,
        scratch_types=[
            pltpu.VMEM((_NCH, _CH), jnp.int32),
            pltpu.VMEM((_CH, _CPAD), jnp.float32),
            pltpu.SemaphoreType.DMA,
        ],
        compiler_params=pltpu.CompilerParams(use_tc_tiling_on_sc=False),
    )
    def gather_kernel(tab_hbm, idx_hbm, out_hbm, idx_v, rows_v, sem):
        wid = lax.axis_index("s") * 2 + lax.axis_index("c")
        pltpu.sync_copy(idx_hbm.at[pl.ds(wid * _NCH, _NCH)], idx_v)

        def chunk(j, carry):
            pltpu.async_copy(tab_hbm.at[idx_v.at[j]], rows_v, sem).wait()
            pltpu.sync_copy(rows_v,
                            out_hbm.at[pl.ds(wid * _PERW + j * _CH, _CH)])
            return carry

        lax.fori_loop(0, _NCH, chunk, 0)

    return gather_kernel(tab, gidx2d)



def _passA_body(g_ref, nx_ref, w0t_ref, w0at_ref, b0_ref,
                y0_ref, s1_ref, s2_ref):
    t = pl.program_id(0)
    g = g_ref[...]
    q = jnp.dot(nx_ref[...], w0at_ref[...],
                preferred_element_type=jnp.float32)
    r = lax.broadcasted_iota(jnp.int32, (_TM, _TM // _K), 0)
    c = lax.broadcasted_iota(jnp.int32, (_TM, _TM // _K), 1)
    e = jnp.where((r // _K) == c, 1.0, 0.0)
    qrep = jnp.dot(e, q, preferred_element_type=jnp.float32)
    y0 = (jnp.dot(g, w0t_ref[...], preferred_element_type=jnp.float32)
          - qrep + b0_ref[...])
    y0_ref[...] = y0

    @pl.when(t == 0)
    def _init():
        s1_ref[...] = jnp.zeros_like(s1_ref)
        s2_ref[...] = jnp.zeros_like(s2_ref)

    s1_ref[...] += jnp.sum(y0, axis=0, keepdims=True)
    s2_ref[...] += jnp.sum(y0 * y0, axis=0, keepdims=True)


def _passA(g, nx_flat, w0t, w0at, b0r):
    return pl.pallas_call(
        _passA_body,
        grid=(_M // _TM,),
        in_specs=[
            pl.BlockSpec((_TM, _CPAD), lambda t: (t, 0)),
            pl.BlockSpec((_TM // _K, 3), lambda t: (t, 0)),
            pl.BlockSpec((_CPAD, _C1), lambda t: (0, 0)),
            pl.BlockSpec((3, _C1), lambda t: (0, 0)),
            pl.BlockSpec((1, _C1), lambda t: (0, 0)),
        ],
        out_specs=[
            pl.BlockSpec((_TM, _C1), lambda t: (t, 0)),
            pl.BlockSpec((1, _C1), lambda t: (0, 0)),
            pl.BlockSpec((1, _C1), lambda t: (0, 0)),
        ],
        out_shape=[
            jax.ShapeDtypeStruct((_M, _C1), jnp.float32),
            jax.ShapeDtypeStruct((1, _C1), jnp.float32),
            jax.ShapeDtypeStruct((1, _C1), jnp.float32),
        ],
        compiler_params=pltpu.CompilerParams(
            dimension_semantics=("arbitrary",)),
    )(g, nx_flat, w0t, w0at, b0r)


def _passB_body(y0_ref, sc0_ref, sh0_ref, w1t_ref, b1_ref,
                y1_ref, t1_ref, t2_ref):
    t = pl.program_id(0)
    a0 = jnp.maximum(y0_ref[...] * sc0_ref[...] + sh0_ref[...], 0.0)
    y1 = (jnp.dot(a0, w1t_ref[...], preferred_element_type=jnp.float32)
          + b1_ref[...])
    y1_ref[...] = y1

    @pl.when(t == 0)
    def _init():
        t1_ref[...] = jnp.zeros_like(t1_ref)
        t2_ref[...] = jnp.zeros_like(t2_ref)

    t1_ref[...] += jnp.sum(y1, axis=0, keepdims=True)
    t2_ref[...] += jnp.sum(y1 * y1, axis=0, keepdims=True)


def _passB(y0, sc0, sh0, w1t, b1r):
    return pl.pallas_call(
        _passB_body,
        grid=(_M // _TM,),
        in_specs=[
            pl.BlockSpec((_TM, _C1), lambda t: (t, 0)),
            pl.BlockSpec((1, _C1), lambda t: (0, 0)),
            pl.BlockSpec((1, _C1), lambda t: (0, 0)),
            pl.BlockSpec((_C1, _C1), lambda t: (0, 0)),
            pl.BlockSpec((1, _C1), lambda t: (0, 0)),
        ],
        out_specs=[
            pl.BlockSpec((_TM, _C1), lambda t: (t, 0)),
            pl.BlockSpec((1, _C1), lambda t: (0, 0)),
            pl.BlockSpec((1, _C1), lambda t: (0, 0)),
        ],
        out_shape=[
            jax.ShapeDtypeStruct((_M, _C1), jnp.float32),
            jax.ShapeDtypeStruct((1, _C1), jnp.float32),
            jax.ShapeDtypeStruct((1, _C1), jnp.float32),
        ],
        compiler_params=pltpu.CompilerParams(
            dimension_semantics=("arbitrary",)),
    )(y0, sc0, sh0, w1t, b1r)


def _passC_body(y1_ref, sc1_ref, sh1_ref, out_ref):
    a1 = jnp.maximum(y1_ref[...] * sc1_ref[...] + sh1_ref[...], 0.0)
    out_ref[...] = jnp.max(a1.reshape(_TM // _K, _K, _C1), axis=1)


def _passC(y1, sc1, sh1):
    return pl.pallas_call(
        _passC_body,
        grid=(_M // _TM,),
        in_specs=[
            pl.BlockSpec((_TM, _C1), lambda t: (t, 0)),
            pl.BlockSpec((1, _C1), lambda t: (0, 0)),
            pl.BlockSpec((1, _C1), lambda t: (0, 0)),
        ],
        out_specs=pl.BlockSpec((_TM // _K, _C1), lambda t: (t, 0)),
        out_shape=jax.ShapeDtypeStruct((_M // _K, _C1), jnp.float32),
    )(y1, sc1, sh1)



def kernel(xyz, points, w0, b0, g0, beta0, w1, b1, g1, beta1):
    xt = jnp.transpose(xyz, (2, 0, 1))
    cx, cy, cz = _fps(xt)
    new_xyz = jnp.stack([cx, cy, cz], axis=-1)
    nxb = jnp.stack([cx, cy, cz], axis=1)
    xtb = jnp.transpose(xyz, (0, 2, 1))
    gidx = _knn(xtb, nxb)

    tab = jnp.concatenate(
        [xyz, points, jnp.zeros((_B, _N, _CPAD - _CIN), jnp.float32)],
        axis=-1).reshape(_B * _N, _CPAD)
    g = _sc_gather(tab, gidx.reshape(_M // _CH, _CH))

    nx_flat = new_xyz.reshape(_B * _S, 3)
    w0p = jnp.pad(w0, ((0, 0), (0, _CPAD - _CIN)))
    y0, s1, s2 = _passA(g, nx_flat, w0p.T, w0[:, :3].T, b0[None])
    mu0 = s1 / _M
    var0 = s2 / _M - mu0 * mu0
    sc0 = g0[None] * lax.rsqrt(var0 + 1e-5)
    sh0 = beta0[None] - mu0 * sc0
    y1, t1, t2 = _passB(y0, sc0, sh0, w1.T, b1[None])
    mu1 = t1 / _M
    var1 = t2 / _M - mu1 * mu1
    sc1 = g1[None] * lax.rsqrt(var1 + 1e-5)
    sh1 = beta1[None] - mu1 * sc1
    out = _passC(y1, sc1, sh1).reshape(_B, _S, _C1)
    return new_xyz, out

# --- scband reference (transcript-rebuilt; emitter-appended) ---
"""Pipeline reference for scband-transition-down-24781961298010 (READ-ONLY COPY).

The authoritative reference and input builder live on the scoring server;
editing this copy changes nothing except your own understanding.
"""

import jax, jax.numpy as jnp
import numpy as np

B, N, NPOINT, NSAMPLE = 4, 8192, 2048, 16
IN_CH = 35

def square_distance(src, dst):
    # src: [B,S,3], dst: [B,N,3] -> [B,S,N]
    return (jnp.sum(src ** 2, -1)[:, :, None]
            + jnp.sum(dst ** 2, -1)[:, None, :]
            - 2.0 * jnp.einsum('bsc,bnc->bsn', src, dst))

def index_points(points, idx):
    # points: [B,N,C], idx: [B,...] -> [B,...,C]
    return jax.vmap(lambda p, i: p[i])(points, idx)

def farthest_point_sample(xyz, npoint):
    # deterministic FPS (start at index 0 instead of torch's randint start)
    Bc, Nc, _ = xyz.shape
    distance0 = jnp.full((Bc, Nc), 1e10, dtype=jnp.float32)
    farthest0 = jnp.zeros((Bc,), dtype=jnp.int32)
    def body(carry, _):
        distance, farthest = carry
        centroid = jnp.take_along_axis(xyz, farthest[:, None, None], axis=1)  # [B,1,3]
        dist = jnp.sum((xyz - centroid) ** 2, -1)
        distance = jnp.minimum(distance, dist)
        new_farthest = jnp.argmax(distance, axis=-1).astype(jnp.int32)
        return (distance, new_farthest), farthest
    _, centroids = jax.lax.scan(body, (distance0, farthest0), None, length=npoint)
    return jnp.transpose(centroids)  # [B, npoint]

def bn2d(x, g, b, eps=1e-5):
    mean = jnp.mean(x, axis=(0, 2, 3), keepdims=True)
    var = jnp.var(x, axis=(0, 2, 3), keepdims=True)
    return (x - mean) / jnp.sqrt(var + eps) * g[None, :, None, None] + b[None, :, None, None]

def setup_inputs(seed: int = 0):
    key = jax.random.key(seed)
    ks = jax.random.split(key, 6)
    xyz = jax.random.normal(ks[0], (B, N, 3), dtype=jnp.float32)
    points = jax.random.normal(ks[1], (B, N, 32), dtype=jnp.float32)
    w0 = jax.random.normal(ks[2], (64, IN_CH), dtype=jnp.float32) * (1.0 / np.sqrt(IN_CH))
    b0 = jnp.zeros((64,), dtype=jnp.float32)
    g0 = jnp.ones((64,), dtype=jnp.float32)
    beta0 = jnp.zeros((64,), dtype=jnp.float32)
    w1 = jax.random.normal(ks[3], (64, 64), dtype=jnp.float32) * (1.0 / np.sqrt(64))
    b1 = jnp.zeros((64,), dtype=jnp.float32)
    g1 = jnp.ones((64,), dtype=jnp.float32)
    beta1 = jnp.zeros((64,), dtype=jnp.float32)
    return {"xyz": xyz, "points": points, "w0": w0, "b0": b0, "g0": g0, "beta0": beta0,
            "w1": w1, "b1": b1, "g1": g1, "beta1": beta1}

def reference(xyz, points, w0, b0, g0, beta0, w1, b1, g1, beta1):
    fps_idx = farthest_point_sample(xyz, NPOINT)          # [B, S]
    new_xyz = index_points(xyz, fps_idx)                  # [B, S, 3]
    dists = square_distance(new_xyz, xyz)                 # [B, S, N]
    idx = jnp.argsort(dists, axis=-1)[:, :, :NSAMPLE]     # [B, S, K] kNN
    grouped_xyz = index_points(xyz, idx)                  # [B, S, K, 3]
    grouped_xyz_norm = grouped_xyz - new_xyz[:, :, None, :]
    grouped_points = index_points(points, idx)            # [B, S, K, 32]
    new_points = jnp.concatenate([grouped_xyz_norm, grouped_points], axis=-1)  # [B,S,K,35]
    x = jnp.transpose(new_points, (0, 3, 2, 1))           # [B, C, K, S]
    x = jax.nn.relu(bn2d(jnp.einsum('oi,biks->boks', w0, x) + b0[None, :, None, None], g0, beta0))
    x = jax.nn.relu(bn2d(jnp.einsum('oi,biks->boks', w1, x) + b1[None, :, None, None], g1, beta1))
    out = jnp.transpose(jnp.max(x, axis=2), (0, 2, 1))    # [B, S, 64]
    return new_xyz, out

if __name__ == "__main__":
    import jax
    _d = setup_inputs()
    print(jax.jit(kernel)(*tuple(_d.values())))

</pallas_src>

<mosaic_0001>
#map = affine_map<(d0, d1) -> (0, 0)>
module attributes {stable_mosaic.version = 14 : i64} {
  func.func @gather_kernel(%arg0: i32, %arg1: i32, %arg2: memref<32768x48xf32, #tpu.memory_space<hbm>>, %arg3: memref<1024x128xi32, #tpu.memory_space<hbm>>, %arg4: memref<131072x48xf32, #tpu.memory_space<hbm>>, %arg5: memref<32x128xi32, #tpu.memory_space<vmem>>, %arg6: memref<128x48xf32, #tpu.memory_space<vmem>>, %arg7: memref<!tpu.dma_semaphore, #tpu.memory_space<semaphore_mem>>) attributes {dimension_semantics = [#tpu.dimension_semantics<core_parallel>, #tpu.dimension_semantics<subcore_parallel>], iteration_bounds = array<i64: 2, 16>, scalar_prefetch = 0 : i64, scratch_operands = 3 : i64, tpu.core_type = #tpu.core_type<sc_vector_subcore>, window_params = [{transform_indices = #map}, {transform_indices = #map}, {transform_indices = #map}]} {
    %mul3A = arith.constant 2 : i32
    %mul3A_0 = arith.muli %arg1, %mul3A : i32
    %add3A = arith.addi %mul3A_0, %arg0 : i32
    %mul3A_1 = arith.constant 32 : i32
    %mul3A_2 = arith.muli %add3A, %mul3A_1 : i32
    "tpu.region"() ({
      %run_scoped3A = tpu.sem_alloc : memref<!tpu.dma_semaphore, #tpu.memory_space<semaphore_mem>>
      %dma_start3A = arith.constant 0 : i32
      %dma_start3A_8 = tpu.memref_slice %arg3[%mul3A_2, %dma_start3A] : memref<1024x128xi32, #tpu.memory_space<hbm>> -> memref<32x128xi32, #tpu.memory_space<hbm>>
      %dma_start3A_9 = arith.constant 0 : i32
      %dma_start3A_10 = tpu.memref_slice %arg3[%mul3A_2, %dma_start3A_9] : memref<1024x128xi32, #tpu.memory_space<hbm>> -> memref<32x128xi32, #tpu.memory_space<hbm>>
      tpu.enqueue_dma source(%dma_start3A_10 : memref<32x128xi32, #tpu.memory_space<hbm>>) target(%arg5 : memref<32x128xi32, #tpu.memory_space<vmem>>) target_semaphore(%run_scoped3A : memref<!tpu.dma_semaphore, #tpu.memory_space<semaphore_mem>>)
      %dma_wait3A = arith.constant 0 : i32
      %dma_wait3A_11 = tpu.memref_slice %arg3[%mul3A_2, %dma_wait3A] : memref<1024x128xi32, #tpu.memory_space<hbm>> -> memref<32x128xi32, #tpu.memory_space<hbm>>
      %dma_wait3A_12 = arith.constant 0 : i32
      %dma_wait3A_13 = tpu.memref_slice %arg3[%mul3A_2, %dma_wait3A_12] : memref<1024x128xi32, #tpu.memory_space<hbm>> -> memref<32x128xi32, #tpu.memory_space<hbm>>
      tpu.wait_dma2 semaphore(%run_scoped3A : memref<!tpu.dma_semaphore, #tpu.memory_space<semaphore_mem>>) src(%dma_wait3A_13 : memref<32x128xi32, #tpu.memory_space<hbm>>) dst(%arg5 : memref<32x128xi32, #tpu.memory_space<vmem>>)
      tpu.yield
    }) : () -> ()
    %scan3A = arith.constant 0 : i32
    %scan3A_3 = arith.constant 0 : i32
    %scan3A_4 = arith.constant 32 : i32
    %scan3A_5 = arith.addi %scan3A_3, %scan3A_4 : i32
    %scan3A_6 = arith.constant 1 : i32
    scf.for %scan3A_8 = %scan3A_3 to %scan3A_5 step %scan3A_6  : i32 {
      %dma_start3A = arith.constant 0 : i32
      %dma_start3A_9 = tpu.memref_slice %arg5[%scan3A_8, %dma_start3A] : memref<32x128xi32, #tpu.memory_space<vmem>> -> memref<1x128xi32, #tpu.memory_space<vmem>>
      %dma_start3A_10 = tpu.memref_squeeze %dma_start3A_9 : memref<1x128xi32, #tpu.memory_space<vmem>> -> memref<128xi32, #tpu.memory_space<vmem>>
      %dma_start3A_11 = arith.constant 0 : i32
      %dma_start3A_12 = arith.constant 0 : i32
      %dma_start3A_13 = tpu.memref_slice %arg2[%dma_start3A_11, %dma_start3A_12] : memref<32768x48xf32, #tpu.memory_space<hbm>> -> memref<32768x48xf32, #tpu.memory_space<hbm>>
      tpu.enqueue_indirect_dma source(%dma_start3A_13 : memref<32768x48xf32, #tpu.memory_space<hbm>>) target(%arg6 : memref<128x48xf32, #tpu.memory_space<vmem>>) offsets(%dma_start3A_10 : memref<128xi32, #tpu.memory_space<vmem>>) semaphore(%arg7 : memref<!tpu.dma_semaphore, #tpu.memory_space<semaphore_mem>>)
      %dma_wait3A = arith.constant 0 : i32
      %dma_wait3A_14 = tpu.memref_slice %arg5[%scan3A_8, %dma_wait3A] : memref<32x128xi32, #tpu.memory_space<vmem>> -> memref<1x128xi32, #tpu.memory_space<vmem>>
      %dma_wait3A_15 = tpu.memref_squeeze %dma_wait3A_14 : memref<1x128xi32, #tpu.memory_space<vmem>> -> memref<128xi32, #tpu.memory_space<vmem>>
      %dma_wait3A_16 = arith.constant 0 : i32
      %dma_wait3A_17 = arith.constant 0 : i32
      %dma_wait3A_18 = tpu.memref_slice %arg2[%dma_wait3A_16, %dma_wait3A_17] : memref<32768x48xf32, #tpu.memory_space<hbm>> -> memref<32768x48xf32, #tpu.memory_space<hbm>>
      tpu.wait_indirect_dma semaphore(%arg7 : memref<!tpu.dma_semaphore, #tpu.memory_space<semaphore_mem>>) src(%dma_wait3A_18 : memref<32768x48xf32, #tpu.memory_space<hbm>>) dst(%arg6 : memref<128x48xf32, #tpu.memory_space<vmem>>)
      %mul3A_19 = arith.constant 4096 : i32
      %mul3A_20 = arith.muli %add3A, %mul3A_19 : i32
      %mul3A_21 = arith.constant 128 : i32
      %mul3A_22 = arith.muli %scan3A_8, %mul3A_21 : i32
      %add3A_23 = arith.addi %mul3A_20, %mul3A_22 : i32
      "tpu.region"() ({
        %run_scoped3A = tpu.sem_alloc : memref<!tpu.dma_semaphore, #tpu.memory_space<semaphore_mem>>
        %dma_start3A_24 = arith.constant 0 : i32
        %dma_start3A_25 = tpu.memref_slice %arg4[%add3A_23, %dma_start3A_24] : memref<131072x48xf32, #tpu.memory_space<hbm>> -> memref<128x48xf32, #tpu.memory_space<hbm>>
        %dma_start3A_26 = arith.constant 0 : i32
        %dma_start3A_27 = tpu.memref_slice %arg4[%add3A_23, %dma_start3A_26] : memref<131072x48xf32, #tpu.memory_space<hbm>> -> memref<128x48xf32, #tpu.memory_space<hbm>>
        tpu.enqueue_dma source(%arg6 : memref<128x48xf32, #tpu.memory_space<vmem>>) target(%dma_start3A_27 : memref<128x48xf32, #tpu.memory_space<hbm>>) target_semaphore(%run_scoped3A : memref<!tpu.dma_semaphore, #tpu.memory_space<semaphore_mem>>)
        %dma_wait3A_28 = arith.constant 0 : i32
        %dma_wait3A_29 = tpu.memref_slice %arg4[%add3A_23, %dma_wait3A_28] : memref<131072x48xf32, #tpu.memory_space<hbm>> -> memref<128x48xf32, #tpu.memory_space<hbm>>
        %dma_wait3A_30 = arith.constant 0 : i32
        %dma_wait3A_31 = tpu.memref_slice %arg4[%add3A_23, %dma_wait3A_30] : memref<131072x48xf32, #tpu.memory_space<hbm>> -> memref<128x48xf32, #tpu.memory_space<hbm>>
        tpu.wait_dma2 semaphore(%run_scoped3A : memref<!tpu.dma_semaphore, #tpu.memory_space<semaphore_mem>>) src(%arg6 : memref<128x48xf32, #tpu.memory_space<vmem>>) dst(%dma_wait3A_31 : memref<128x48xf32, #tpu.memory_space<hbm>>)
        tpu.yield
      }) : () -> ()
    }
    %scan3A_7 = arith.constant 32 : i32
    return
  }
}

module attributes {stable_mosaic.version = 14 : i64} {
  func.func @_fps_body(%arg0: memref<3x4x8192xf32, #tpu.memory_space<vmem>>, %arg1: memref<4x2048xf32, #tpu.memory_space<vmem>>, %arg2: memref<4x2048xf32, #tpu.memory_space<vmem>>, %arg3: memref<4x2048xf32, #tpu.memory_space<vmem>>, %arg4: memref<4x8192xf32, #tpu.memory_space<vmem>>) attributes {dimension_semantics = [], scalar_prefetch = 0 : i64, scratch_operands = 1 : i64, tpu.core_type = #tpu.core_type<tc>} {
    %get3A = arith.constant 0 : index
    %get3A_0 = arith.constant 0 : index
    %get3A_1 = arith.constant 0 : index
    %get3A_2 = vector.load %arg0[%get3A, %get3A_0, %get3A_1] : memref<3x4x8192xf32, #tpu.memory_space<vmem>>, vector<1x4x8192xf32>
    %get3A_3 = vector.shape_cast %get3A_2 : vector<1x4x8192xf32> to vector<4x8192xf32>
    %get3A_4 = arith.constant 1 : index
    %get3A_5 = arith.constant 0 : index
    %get3A_6 = arith.constant 0 : index
    %get3A_7 = vector.load %arg0[%get3A_4, %get3A_5, %get3A_6] : memref<3x4x8192xf32, #tpu.memory_space<vmem>>, vector<1x4x8192xf32>
    %get3A_8 = vector.shape_cast %get3A_7 : vector<1x4x8192xf32> to vector<4x8192xf32>
    %get3A_9 = arith.constant 2 : index
    %get3A_10 = arith.constant 0 : index
    %get3A_11 = arith.constant 0 : index
    %get3A_12 = vector.load %arg0[%get3A_9, %get3A_10, %get3A_11] : memref<3x4x8192xf32, #tpu.memory_space<vmem>>, vector<1x4x8192xf32>
    %get3A_13 = vector.shape_cast %get3A_12 : vector<1x4x8192xf32> to vector<4x8192xf32>
    %iota3A = tpu.iota {dimensions = array<i32: 1>} : vector<4x8192xi32>
    %iota3A_14 = tpu.iota {dimensions = array<i32: 1>} : vector<4x128xi32>
    %broadcast_in_dim3A = arith.constant 1.000000e+10 : f32
    %broadcast_in_dim3A_15 = vector.broadcast %broadcast_in_dim3A : f32 to vector<4x8192xf32>
    %swap3A = arith.constant 0 : index
    %swap3A_16 = arith.constant 0 : index
    %swap3A_17 = vector.load %arg4[%swap3A, %swap3A_16] : memref<4x8192xf32, #tpu.memory_space<vmem>>, vector<4x8192xf32>
    tpu.vector_store %arg4[%swap3A, %swap3A_16], %broadcast_in_dim3A_15 {strides = array<i32>} : memref<4x8192xf32, #tpu.memory_space<vmem>>, vector<4x8192xf32>,
    %broadcast_in_dim3A_18 = arith.constant 0.000000e+00 : f32
    %broadcast_in_dim3A_19 = vector.broadcast %broadcast_in_dim3A_18 : f32 to vector<4x128xf32>
    %broadcast_in_dim3A_20 = arith.constant 0 : i32
    %broadcast_in_dim3A_21 = vector.broadcast %broadcast_in_dim3A_20 : i32 to vector<4x1xi32>
    %scan3A = arith.constant 0 : i32
    %scan3A_22 = arith.constant 16 : i32
    %scan3A_23 = arith.addi %scan3A, %scan3A_22 : i32
    %scan3A_24 = arith.constant 1 : i32
    %scan3A_25 = scf.for %scan3A_27 = %scan3A to %scan3A_23 step %scan3A_24 iter_args(%scan3A_28 = %broadcast_in_dim3A_21) -> (vector<4x1xi32>)  : i32 {
      %scan3A_29 = arith.constant 0 : i32
      %scan3A_30 = arith.constant 128 : i32
      %scan3A_31 = arith.addi %scan3A_29, %scan3A_30 : i32
      %scan3A_32 = arith.constant 1 : i32
      %scan3A_33:4 = scf.for %scan3A_45 = %scan3A_29 to %scan3A_31 step %scan3A_32 iter_args(%scan3A_46 = %scan3A_28, %scan3A_47 = %broadcast_in_dim3A_19, %scan3A_48 = %broadcast_in_dim3A_19, %scan3A_49 = %broadcast_in_dim3A_19) -> (vector<4x1xi32>, vector<4x128xf32>, vector<4x128xf32>, vector<4x128xf32>)  : i32 {
        %eq3A = vector.broadcast %scan3A_46 : vector<4x1xi32> to vector<4x8192xi32>
        %eq3A_50 = arith.cmpi eq, %iota3A, %eq3A : vector<4x8192xi32>
        %jit3A = arith.constant 0.000000e+00 : f32
        %broadcast_in_dim3A_51 = vector.broadcast %jit3A : f32 to vector<4x8192xf32>
        %select_n3A = arith.select %eq3A_50, %get3A_3, %broadcast_in_dim3A_51 : vector<4x8192xi1>, vector<4x8192xf32>
        %reduce_sum3A = arith.constant dense<0.000000e+00> : vector<4xf32>
        %reduce_sum3A_52 = vector.multi_reduction <add>, %select_n3A, %reduce_sum3A [1] : vector<4x8192xf32> to vector<4xf32>
        %broadcast_in_dim3A_53 = vector.shape_cast %reduce_sum3A_52 : vector<4xf32> to vector<4x1xf32>
        %jit3A_54 = arith.constant 0.000000e+00 : f32
        %broadcast_in_dim3A_55 = vector.broadcast %jit3A_54 : f32 to vector<4x8192xf32>
        %select_n3A_56 = arith.select %eq3A_50, %get3A_8, %broadcast_in_dim3A_55 : vector<4x8192xi1>, vector<4x8192xf32>
        %reduce_sum3A_57 = arith.constant dense<0.000000e+00> : vector<4xf32>
        %reduce_sum3A_58 = vector.multi_reduction <add>, %select_n3A_56, %reduce_sum3A_57 [1] : vector<4x8192xf32> to vector<4xf32>
        %broadcast_in_dim3A_59 = vector.shape_cast %reduce_sum3A_58 : vector<4xf32> to vector<4x1xf32>
        %jit3A_60 = arith.constant 0.000000e+00 : f32
        %broadcast_in_dim3A_61 = vector.broadcast %jit3A_60 : f32 to vector<4x8192xf32>
        %select_n3A_62 = arith.select %eq3A_50, %get3A_13, %broadcast_in_dim3A_61 : vector<4x8192xi1>, vector<4x8192xf32>
        %reduce_sum3A_63 = arith.constant dense<0.000000e+00> : vector<4xf32>
        %reduce_sum3A_64 = vector.multi_reduction <add>, %select_n3A_62, %reduce_sum3A_63 [1] : vector<4x8192xf32> to vector<4xf32>
        %broadcast_in_dim3A_65 = vector.shape_cast %reduce_sum3A_64 : vector<4xf32> to vector<4x1xf32>
        %eq3A_66 = vector.broadcast %scan3A_45 : i32 to vector<4x128xi32>
        %eq3A_67 = arith.cmpi eq, %iota3A_14, %eq3A_66 : vector<4x128xi32>
        %broadcast_in_dim3A_68 = vector.shape_cast %broadcast_in_dim3A_53 : vector<4x1xf32> to vector<4x1xf32>
        %broadcast_in_dim3A_69 = vector.broadcast %broadcast_in_dim3A_68 : vector<4x1xf32> to vector<4x128xf32>
        %select_n3A_70 = arith.select %eq3A_67, %broadcast_in_dim3A_69, %scan3A_47 : vector<4x128xi1>, vector<4x128xf32>
        %broadcast_in_dim3A_71 = vector.shape_cast %broadcast_in_dim3A_59 : vector<4x1xf32> to vector<4x1xf32>
        %broadcast_in_dim3A_72 = vector.broadcast %broadcast_in_dim3A_71 : vector<4x1xf32> to vector<4x128xf32>
        %select_n3A_73 = arith.select %eq3A_67, %broadcast_in_dim3A_72, %scan3A_48 : vector<4x128xi1>, vector<4x128xf32>
        %broadcast_in_dim3A_74 = vector.shape_cast %broadcast_in_dim3A_65 : vector<4x1xf32> to vector<4x1xf32>
        %broadcast_in_dim3A_75 = vector.broadcast %broadcast_in_dim3A_74 : vector<4x1xf32> to vector<4x128xf32>
        %select_n3A_76 = arith.select %eq3A_67, %broadcast_in_dim3A_75, %scan3A_49 : vector<4x128xi1>, vector<4x128xf32>
        %sub3A = vector.broadcast %broadcast_in_dim3A_53 : vector<4x1xf32> to vector<4x8192xf32>
        %sub3A_77 = arith.subf %get3A_3, %sub3A : vector<4x8192xf32>
        %sub3A_78 = vector.broadcast %broadcast_in_dim3A_59 : vector<4x1xf32> to vector<4x8192xf32>
        %sub3A_79 = arith.subf %get3A_8, %sub3A_78 : vector<4x8192xf32>
        %sub3A_80 = vector.broadcast %broadcast_in_dim3A_65 : vector<4x1xf32> to vector<4x8192xf32>
        %sub3A_81 = arith.subf %get3A_13, %sub3A_80 : vector<4x8192xf32>
        %mul3A_82 = arith.mulf %sub3A_77, %sub3A_77 : vector<4x8192xf32>
        %mul3A_83 = arith.mulf %sub3A_79, %sub3A_79 : vector<4x8192xf32>
        %add3A = arith.addf %mul3A_82, %mul3A_83 : vector<4x8192xf32>
        %mul3A_84 = arith.mulf %sub3A_81, %sub3A_81 : vector<4x8192xf32>
        %add3A_85 = arith.addf %add3A, %mul3A_84 : vector<4x8192xf32>
        %get3A_86 = arith.constant 0 : index
        %get3A_87 = arith.constant 0 : index
        %get3A_88 = vector.load %arg4[%get3A_86, %get3A_87] : memref<4x8192xf32, #tpu.memory_space<vmem>>, vector<4x8192xf32>
        %min3A = arith.minimumf %get3A_88, %add3A_85 : vector<4x8192xf32>
        %swap3A_89 = arith.constant 0 : index
        %swap3A_90 = arith.constant 0 : index
        %swap3A_91 = vector.load %arg4[%swap3A_89, %swap3A_90] : memref<4x8192xf32, #tpu.memory_space<vmem>>, vector<4x8192xf32>
        tpu.vector_store %arg4[%swap3A_89, %swap3A_90], %min3A {strides = array<i32>} : memref<4x8192xf32, #tpu.memory_space<vmem>>, vector<4x8192xf32>,
        %reduce_max3A = arith.constant dense<0xFF800000> : vector<4xf32>
        %reduce_max3A_92 = vector.multi_reduction <maximumf>, %min3A, %reduce_max3A [1] : vector<4x8192xf32> to vector<4xf32>
        %broadcast_in_dim3A_93 = vector.shape_cast %reduce_max3A_92 : vector<4xf32> to vector<4x1xf32>
        %eq3A_94 = vector.broadcast %broadcast_in_dim3A_93 : vector<4x1xf32> to vector<4x8192xf32>
        %eq3A_95 = arith.cmpf oeq, %min3A, %eq3A_94 : vector<4x8192xf32>
        %jit3A_96 = arith.constant 8192 : i32
        %broadcast_in_dim3A_97 = vector.broadcast %jit3A_96 : i32 to vector<4x8192xi32>
        %select_n3A_98 = arith.select %eq3A_95, %iota3A, %broadcast_in_dim3A_97 : vector<4x8192xi1>, vector<4x8192xi32>
        %reduce_min3A = arith.constant dense<2147483647> : vector<4xi32>
        %reduce_min3A_99 = vector.multi_reduction <minsi>, %select_n3A_98, %reduce_min3A [1] : vector<4x8192xi32> to vector<4xi32>
        %broadcast_in_dim3A_100 = vector.shape_cast %reduce_min3A_99 : vector<4xi32> to vector<4x1xi32>
        scf.yield %broadcast_in_dim3A_100, %select_n3A_70, %select_n3A_73, %select_n3A_76 : vector<4x1xi32>, vector<4x128xf32>, vector<4x128xf32>, vector<4x128xf32>
      }
      %scan3A_34 = arith.constant 128 : i32
      %mul3A = arith.constant 128 : i32
      %mul3A_35 = arith.muli %scan3A_27, %mul3A : i32
      %multiple_of3A = tpu.assume_multiple %mul3A_35, 128 : i32
      %swap3A_36 = arith.constant 0 : index
      %swap3A_37 = arith.index_cast %multiple_of3A : i32 to index
      %swap3A_38 = vector.load %arg1[%swap3A_36, %swap3A_37] : memref<4x2048xf32, #tpu.memory_space<vmem>>, vector<4x128xf32>
      tpu.vector_store %arg1[%swap3A_36, %swap3A_37], %scan3A_33#1 {strides = array<i32>} : memref<4x2048xf32, #tpu.memory_space<vmem>>, vector<4x128xf32>,
      %swap3A_39 = arith.constant 0 : index
      %swap3A_40 = arith.index_cast %multiple_of3A : i32 to index
      %swap3A_41 = vector.load %arg2[%swap3A_39, %swap3A_40] : memref<4x2048xf32, #tpu.memory_space<vmem>>, vector<4x128xf32>
      tpu.vector_store %arg2[%swap3A_39, %swap3A_40], %scan3A_33#2 {strides = array<i32>} : memref<4x2048xf32, #tpu.memory_space<vmem>>, vector<4x128xf32>,
      %swap3A_42 = arith.constant 0 : index
      %swap3A_43 = arith.index_cast %multiple_of3A : i32 to index
      %swap3A_44 = vector.load %arg3[%swap3A_42, %swap3A_43] : memref<4x2048xf32, #tpu.memory_space<vmem>>, vector<4x128xf32>
      tpu.vector_store %arg3[%swap3A_42, %swap3A_43], %scan3A_33#3 {strides = array<i32>} : memref<4x2048xf32, #tpu.memory_space<vmem>>, vector<4x128xf32>,
      scf.yield %scan3A_33#0 : vector<4x1xi32>
    }
    %scan3A_26 = arith.constant 16 : i32
    return
  }
}

module attributes {stable_mosaic.version = 14 : i64} {
  func.func @_knn_body(%arg0: i32, %arg1: i32, %arg2: memref<1x3x8192xf32, #tpu.memory_space<vmem>>, %arg3: memref<1x3x128xf32, #tpu.memory_space<vmem>>, %arg4: memref<1x128x16xi32, #tpu.memory_space<vmem>>) attributes {dimension_semantics = [#tpu.dimension_semantics<arbitrary>, #tpu.dimension_semantics<arbitrary>], iteration_bounds = array<i64: 4, 16>, scalar_prefetch = 0 : i64, scratch_operands = 0 : i64, tpu.core_type = #tpu.core_type<tc>, window_params = [{transform_indices = @transform_0, window_bounds = array<i64: 1, 3, 8192>}, {transform_indices = @transform_1, window_bounds = array<i64: 1, 3, 128>}, {transform_indices = @transform_2, window_bounds = array<i64: 1, 128, 16>}]} {
    %get3A = arith.constant 0 : index
    %get3A_0 = arith.constant 0 : index
    %get3A_1 = arith.constant 0 : index
    %get3A_2 = vector.load %arg2[%get3A, %get3A_0, %get3A_1] : memref<1x3x8192xf32, #tpu.memory_space<vmem>>, vector<1x3x8192xf32>
    %get3A_3 = vector.shape_cast %get3A_2 : vector<1x3x8192xf32> to vector<3x8192xf32>
    %get3A_4 = arith.constant 0 : index
    %get3A_5 = arith.constant 0 : index
    %get3A_6 = arith.constant 0 : index
    %get3A_7 = vector.load %arg3[%get3A_4, %get3A_5, %get3A_6] : memref<1x3x128xf32, #tpu.memory_space<vmem>>, vector<1x3x128xf32>
    %get3A_8 = vector.shape_cast %get3A_7 : vector<1x3x128xf32> to vector<3x128xf32>
    %mul3A = arith.mulf %get3A_3, %get3A_3 : vector<3x8192xf32>
    %reduce_sum3A = arith.constant dense<0.000000e+00> : vector<8192xf32>
    %reduce_sum3A_9 = vector.multi_reduction <add>, %mul3A, %reduce_sum3A [0] : vector<3x8192xf32> to vector<8192xf32>
    %broadcast_in_dim3A = vector.shape_cast %reduce_sum3A_9 : vector<8192xf32> to vector<1x8192xf32>
    %mul3A_10 = arith.mulf %get3A_8, %get3A_8 : vector<3x128xf32>
    %broadcast_in_dim3A_11 = arith.constant 1.000000e+00 : f32
    %broadcast_in_dim3A_12 = vector.broadcast %broadcast_in_dim3A_11 : f32 to vector<3x1xf32>
    %dot_general3A = arith.constant dense<0.000000e+00> : vector<128x1xf32>
    %dot_general3A_13 = tpu.matmul %mul3A_10, %broadcast_in_dim3A_12, %dot_general3A {dimension_numbers = #tpu.dot_dimension_numbers<[0], [0], [1], [1], [0, 1, 1, 1], [], []>, transpose_lhs_hint = false} : vector<3x128xf32>, vector<3x1xf32>, vector<128x1xf32> -> vector<128x1xf32>
    %dot_general3A_14 = arith.constant dense<0.000000e+00> : vector<128x8192xf32>
    %dot_general3A_15 = tpu.matmul %get3A_8, %get3A_3, %dot_general3A_14 {dimension_numbers = #tpu.dot_dimension_numbers<[0], [0], [1], [1], [0, 1, 1, 1], [], []>, transpose_lhs_hint = false} : vector<3x128xf32>, vector<3x8192xf32>, vector<128x8192xf32> -> vector<128x8192xf32>
    %add3A = vector.broadcast %broadcast_in_dim3A : vector<1x8192xf32> to vector<128x8192xf32>
    %add3A_16 = vector.broadcast %dot_general3A_13 : vector<128x1xf32> to vector<128x8192xf32>
    %add3A_17 = arith.addf %add3A, %add3A_16 : vector<128x8192xf32>
    %mul3A_18 = arith.constant 2.000000e+00 : f32
    %mul3A_19 = vector.broadcast %mul3A_18 : f32 to vector<128x8192xf32>
    %mul3A_20 = arith.mulf %mul3A_19, %dot_general3A_15 : vector<128x8192xf32>
    %sub3A = arith.subf %add3A_17, %mul3A_20 : vector<128x8192xf32>
    %broadcast_in_dim3A_21 = arith.constant 2147483647 : i32
    %broadcast_in_dim3A_22 = vector.broadcast %broadcast_in_dim3A_21 : i32 to vector<128x128xi32>
    %broadcast_in_dim3A_23 = arith.constant 2147483647 : i32
    %broadcast_in_dim3A_24 = vector.broadcast %broadcast_in_dim3A_23 : i32 to vector<128x128xi32>
    %broadcast_in_dim3A_25 = arith.constant 2147483647 : i32
    %broadcast_in_dim3A_26 = vector.broadcast %broadcast_in_dim3A_25 : i32 to vector<128x128xi32>
    %broadcast_in_dim3A_27 = arith.constant 2147483647 : i32
    %broadcast_in_dim3A_28 = vector.broadcast %broadcast_in_dim3A_27 : i32 to vector<128x128xi32>
    %slice3A = vector.extract_strided_slice %sub3A {offsets = [0, 0], sizes = [128, 128], strides = [1, 1]} : vector<128x8192xf32> to vector<128x128xf32>
    %bitcast_convert_type3A = tpu.bitcast %slice3A : vector<128x128xf32> -> vector<128x128xi32>
    %and3A = arith.constant -64 : i32
    %and3A_29 = vector.broadcast %and3A : i32 to vector<128x128xi32>
    %and3A_30 = arith.andi %bitcast_convert_type3A, %and3A_29 : vector<128x128xi32>
    %or3A = arith.constant 0 : i32
    %or3A_31 = vector.broadcast %or3A : i32 to vector<128x128xi32>
    %or3A_32 = arith.ori %and3A_30, %or3A_31 : vector<128x128xi32>
    %min3A = arith.minsi %broadcast_in_dim3A_22, %or3A_32 : vector<128x128xi32>
    %max3A = arith.maxsi %broadcast_in_dim3A_22, %or3A_32 : vector<128x128xi32>
    %min3A_33 = arith.minsi %broadcast_in_dim3A_24, %max3A : vector<128x128xi32>
    %max3A_34 = arith.maxsi %broadcast_in_dim3A_24, %max3A : vector<128x128xi32>
    %min3A_35 = arith.minsi %broadcast_in_dim3A_26, %max3A_34 : vector<128x128xi32>
    %max3A_36 = arith.maxsi %broadcast_in_dim3A_26, %max3A_34 : vector<128x128xi32>
    %min3A_37 = arith.minsi %broadcast_in_dim3A_28, %max3A_36 : vector<128x128xi32>
    %slice3A_38 = vector.extract_strided_slice %sub3A {offsets = [0, 128], sizes = [128, 128], strides = [1, 1]} : vector<128x8192xf32> to vector<128x128xf32>
    %bitcast_convert_type3A_39 = tpu.bitcast %slice3A_38 : vector<128x128xf32> -> vector<128x128xi32>
    %and3A_40 = arith.constant -64 : i32
    %and3A_41 = vector.broadcast %and3A_40 : i32 to vector<128x128xi32>
    %and3A_42 = arith.andi %bitcast_convert_type3A_39, %and3A_41 : vector<128x128xi32>
    %or3A_43 = arith.constant 1 : i32
    %or3A_44 = vector.broadcast %or3A_43 : i32 to vector<128x128xi32>
    %or3A_45 = arith.ori %and3A_42, %or3A_44 : vector<128x128xi32>
    %min3A_46 = arith.minsi %min3A, %or3A_45 : vector<128x128xi32>
    %max3A_47 = arith.maxsi %min3A, %or3A_45 : vector<128x128xi32>
    %min3A_48 = arith.minsi %min3A_33, %max3A_47 : vector<128x128xi32>
    %max3A_49 = arith.maxsi %min3A_33, %max3A_47 : vector<128x128xi32>
    %min3A_50 = arith.minsi %min3A_35, %max3A_49 : vector<128x128xi32>
    %max3A_51 = arith.maxsi %min3A_35, %max3A_49 : vector<128x128xi32>
    %min3A_52 = arith.minsi %min3A_37, %max3A_51 : vector<128x128xi32>
    %slice3A_53 = vector.extract_strided_slice %sub3A {offsets = [0, 256], sizes = [128, 128], strides = [1, 1]} : vector<128x8192xf32> to vector<128x128xf32>
    %bitcast_convert_type3A_54 = tpu.bitcast %slice3A_53 : vector<128x128xf32> -> vector<128x128xi32>
    %and3A_55 = arith.constant -64 : i32
    %and3A_56 = vector.broadcast %and3A_55 : i32 to vector<128x128xi32>
    %and3A_57 = arith.andi %bitcast_convert_type3A_54, %and3A_56 : vector<128x128xi32>
    %or3A_58 = arith.constant 2 : i32
    %or3A_59 = vector.broadcast %or3A_58 : i32 to vector<128x128xi32>
    %or3A_60 = arith.ori %and3A_57, %or3A_59 : vector<128x128xi32>
    %min3A_61 = arith.minsi %min3A_46, %or3A_60 : vector<128x128xi32>
    %max3A_62 = arith.maxsi %min3A_46, %or3A_60 : vector<128x128xi32>
    %min3A_63 = arith.minsi %min3A_48, %max3A_62 : vector<128x128xi32>
    %max3A_64 = arith.maxsi %min3A_48, %max3A_62 : vector<128x128xi32>
    %min3A_65 = arith.minsi %min3A_50, %max3A_64 : vector<128x128xi32>
    %max3A_66 = arith.maxsi %min3A_50, %max3A_64 : vector<128x128xi32>
    %min3A_67 = arith.minsi %min3A_52, %max3A_66 : vector<128x128xi32>
    %slice3A_68 = vector.extract_strided_slice %sub3A {offsets = [0, 384], sizes = [128, 128], strides = [1, 1]} : vector<128x8192xf32> to vector<128x128xf32>
    %bitcast_convert_type3A_69 = tpu.bitcast %slice3A_68 : vector<128x128xf32> -> vector<128x128xi32>
    %and3A_70 = arith.constant -64 : i32
    %and3A_71 = vector.broadcast %and3A_70 : i32 to vector<128x128xi32>
    %and3A_72 = arith.andi %bitcast_convert_type3A_69, %and3A_71 : vector<128x128xi32>
    %or3A_73 = arith.constant 3 : i32
    %or3A_74 = vector.broadcast %or3A_73 : i32 to vector<128x128xi32>
    %or3A_75 = arith.ori %and3A_72, %or3A_74 : vector<128x128xi32>
    %min3A_76 = arith.minsi %min3A_61, %or3A_75 : vector<128x128xi32>
    %max3A_77 = arith.maxsi %min3A_61, %or3A_75 : vector<128x128xi32>
    %min3A_78 = arith.minsi %min3A_63, %max3A_77 : vector<128x128xi32>
    %max3A_79 = arith.maxsi %min3A_63, %max3A_77 : vector<128x128xi32>
    %min3A_80 = arith.minsi %min3A_65, %max3A_79 : vector<128x128xi32>
    %max3A_81 = arith.maxsi %min3A_65, %max3A_79 : vector<128x128xi32>
    %min3A_82 = arith.minsi %min3A_67, %max3A_81 : vector<128x128xi32>
    %slice3A_83 = vector.extract_strided_slice %sub3A {offsets = [0, 512], sizes = [128, 128], strides = [1, 1]} : vector<128x8192xf32> to vector<128x128xf32>
    %bitcast_convert_type3A_84 = tpu.bitcast %slice3A_83 : vector<128x128xf32> -> vector<128x128xi32>
    %and3A_85 = arith.constant -64 : i32
    %and3A_86 = vector.broadcast %and3A_85 : i32 to vector<128x128xi32>
    %and3A_87 = arith.andi %bitcast_convert_type3A_84, %and3A_86 : vector<128x128xi32>
    %or3A_88 = arith.constant 4 : i32
    %or3A_89 = vector.broadcast %or3A_88 : i32 to vector<128x128xi32>
    %or3A_90 = arith.ori %and3A_87, %or3A_89 : vector<128x128xi32>
    %min3A_91 = arith.minsi %min3A_76, %or3A_90 : vector<128x128xi32>
    %max3A_92 = arith.maxsi %min3A_76, %or3A_90 : vector<128x128xi32>
    %min3A_93 = arith.minsi %min3A_78, %max3A_92 : vector<128x128xi32>
    %max3A_94 = arith.maxsi %min3A_78, %max3A_92 : vector<128x128xi32>
    %min3A_95 = arith.minsi %min3A_80, %max3A_94 : vector<128x128xi32>
    %max3A_96 = arith.maxsi %min3A_80, %max3A_94 : vector<128x128xi32>
    %min3A_97 = arith.minsi %min3A_82, %max3A_96 : vector<128x128xi32>
    %slice3A_98 = vector.extract_strided_slice %sub3A {offsets = [0, 640], sizes = [128, 128], strides = [1, 1]} : vector<128x8192xf32> to vector<128x128xf32>
    %bitcast_convert_type3A_99 = tpu.bitcast %slice3A_98 : vector<128x128xf32> -> vector<128x128xi32>
    %and3A_100 = arith.constant -64 : i32
    %and3A_101 = vector.broadcast %and3A_100 : i32 to vector<128x128xi32>
    %and3A_102 = arith.andi %bitcast_convert_type3A_99, %and3A_101 : vector<128x128xi32>
    %or3A_103 = arith.constant 5 : i32
    %or3A_104 = vector.broadcast %or3A_103 : i32 to vector<128x128xi32>
    %or3A_105 = arith.ori %and3A_102, %or3A_104 : vector<128x128xi32>
    %min3A_106 = arith.minsi %min3A_91, %or3A_105 : vector<128x128xi32>
    %max3A_107 = arith.maxsi %min3A_91, %or3A_105 : vector<128x128xi32>
    %min3A_108 = arith.minsi %min3A_93, %max3A_107 : vector<128x128xi32>
    %max3A_109 = arith.maxsi %min3A_93, %max3A_107 : vector<128x128xi32>
    %min3A_110 = arith.minsi %min3A_95, %max3A_109 : vector<128x128xi32>
    %max3A_111 = arith.maxsi %min3A_95, %max3A_109 : vector<128x128xi32>
    %min3A_112 = arith.minsi %min3A_97, %max3A_111 : vector<128x128xi32>
    %slice3A_113 = vector.extract_strided_slice %sub3A {offsets = [0, 768], sizes = [128, 128], strides = [1, 1]} : vector<128x8192xf32> to vector<128x128xf32>
    %bitcast_convert_type3A_114 = tpu.bitcast %slice3A_113 : vector<128x128xf32> -> vector<128x128xi32>
    %and3A_115 = arith.constant -64 : i32
    %and3A_116 = vector.broadcast %and3A_115 : i32 to vector<128x128xi32>
    %and3A_117 = arith.andi %bitcast_convert_type3A_114, %and3A_116 : vector<128x128xi32>
    %or3A_118 = arith.constant 6 : i32
    %or3A_119 = vector.broadcast %or3A_118 : i32 to vector<128x128xi32>
    %or3A_120 = arith.ori %and3A_117, %or3A_119 : vector<128x128xi32>
    %min3A_121 = arith.minsi %min3A_106, %or3A_120 : vector<128x128xi32>
    %max3A_122 = arith.maxsi %min3A_106, %or3A_120 : vector<128x128xi32>
    %min3A_123 = arith.minsi %min3A_108, %max3A_122 : vector<128x128xi32>
    %max3A_124 = arith.maxsi %min3A_108, %max3A_122 : vector<128x128xi32>
    %min3A_125 = arith.minsi %min3A_110, %max3A_124 : vector<128x128xi32>
    %max3A_126 = arith.maxsi %min3A_110, %max3A_124 : vector<128x128xi32>
    %min3A_127 = arith.minsi %min3A_112, %max3A_126 : vector<128x128xi32>
    %slice3A_128 = vector.extract_strided_slice %sub3A {offsets = [0, 896], sizes = [128, 128], strides = [1, 1]} : vector<128x8192xf32> to vector<128x128xf32>
    %bitcast_convert_type3A_129 = tpu.bitcast %slice3A_128 : vector<128x128xf32> -> vector<128x128xi32>
    %and3A_130 = arith.constant -64 : i32
    %and3A_131 = vector.broadcast %and3A_130 : i32 to vector<128x128xi32>
    %and3A_132 = arith.andi %bitcast_convert_type3A_129, %and3A_131 : vector<128x128xi32>
    %or3A_133 = arith.constant 7 : i32
    %or3A_134 = vector.broadcast %or3A_133 : i32 to vector<128x128xi32>
    %or3A_135 = arith.ori %and3A_132, %or3A_134 : vector<128x128xi32>
    %min3A_136 = arith.minsi %min3A_121, %or3A_135 : vector<128x128xi32>
    %max3A_137 = arith.maxsi %min3A_121, %or3A_135 : vector<128x128xi32>
    %min3A_138 = arith.minsi %min3A_123, %max3A_137 : vector<128x128xi32>
    %max3A_139 = arith.maxsi %min3A_123, %max3A_137 : vector<128x128xi32>
    %min3A_140 = arith.minsi %min3A_125, %max3A_139 : vector<128x128xi32>
    %max3A_141 = arith.maxsi %min3A_125, %max3A_139 : vector<128x128xi32>
    %min3A_142 = arith.minsi %min3A_127, %max3A_141 : vector<128x128xi32>
    %slice3A_143 = vector.extract_strided_slice %sub3A {offsets = [0, 1024], sizes = [128, 128], strides = [1, 1]} : vector<128x8192xf32> to vector<128x128xf32>
    %bitcast_convert_type3A_144 = tpu.bitcast %slice3A_143 : vector<128x128xf32> -> vector<128x128xi32>
    %and3A_145 = arith.constant -64 : i32
    %and3A_146 = vector.broadcast %and3A_145 : i32 to vector<128x128xi32>
    %and3A_147 = arith.andi %bitcast_convert_type3A_144, %and3A_146 : vector<128x128xi32>
    %or3A_148 = arith.constant 8 : i32
    %or3A_149 = vector.broadcast %or3A_148 : i32 to vector<128x128xi32>
    %or3A_150 = arith.ori %and3A_147, %or3A_149 : vector<128x128xi32>
    %min3A_151 = arith.minsi %min3A_136, %or3A_150 : vector<128x128xi32>
    %max3A_152 = arith.maxsi %min3A_136, %or3A_150 : vector<128x128xi32>
    %min3A_153 = arith.minsi %min3A_138, %max3A_152 : vector<128x128xi32>
    %max3A_154 = arith.maxsi %min3A_138, %max3A_152 : vector<128x128xi32>
    %min3A_155 = arith.minsi %min3A_140, %max3A_154 : vector<128x128xi32>
    %max3A_156 = arith.maxsi %min3A_140, %max3A_154 : vector<128x128xi32>
    %min3A_157 = arith.minsi %min3A_142, %max3A_156 : vector<128x128xi32>
    %slice3A_158 = vector.extract_strided_slice %sub3A {offsets = [0, 1152], sizes = [128, 128], strides = [1, 1]} : vector<128x8192xf32> to vector<128x128xf32>
    %bitcast_convert_type3A_159 = tpu.bitcast %slice3A_158 : vector<128x128xf32> -> vector<128x128xi32>
    %and3A_160 = arith.constant -64 : i32
    %and3A_161 = vector.broadcast %and3A_160 : i32 to vector<128x128xi32>
    %and3A_162 = arith.andi %bitcast_convert_type3A_159, %and3A_161 : vector<128x128xi32>
    %or3A_163 = arith.constant 9 : i32
    %or3A_164 = vector.broadcast %or3A_163 : i32 to vector<128x128xi32>
    %or3A_165 = arith.ori %and3A_162, %or3A_164 : vector<128x128xi32>
    %min3A_166 = arith.minsi %min3A_151, %or3A_165 : vector<128x128xi32>
    %max3A_167 = arith.maxsi %min3A_151, %or3A_165 : vector<128x128xi32>
    %min3A_168 = arith.minsi %min3A_153, %max3A_167 : vector<128x128xi32>
    %max3A_169 = arith.maxsi %min3A_153, %max3A_167 : vector<128x128xi32>
    %min3A_170 = arith.minsi %min3A_155, %max3A_169 : vector<128x128xi32>
    %max3A_171 = arith.maxsi %min3A_155, %max3A_169 : vector<128x128xi32>
    %min3A_172 = arith.minsi %min3A_157, %max3A_171 : vector<128x128xi32>
    %slice3A_173 = vector.extract_strided_slice %sub3A {offsets = [0, 1280], sizes = [128, 128], strides = [1, 1]} : vector<128x8192xf32> to vector<128x128xf32>
    %bitcast_convert_type3A_174 = tpu.bitcast %slice3A_173 : vector<128x128xf32> -> vector<128x128xi32>
    %and3A_175 = arith.constant -64 : i32
    %and3A_176 = vector.broadcast %and3A_175 : i32 to vector<128x128xi32>
    %and3A_177 = arith.andi %bitcast_convert_type3A_174, %and3A_176 : vector<128x128xi32>
    %or3A_178 = arith.constant 10 : i32
    %or3A_179 = vector.broadcast %or3A_178 : i32 to vector<128x128xi32>
    %or3A_180 = arith.ori %and3A_177, %or3A_179 : vector<128x128xi32>
    %min3A_181 = arith.minsi %min3A_166, %or3A_180 : vector<128x128xi32>
    %max3A_182 = arith.maxsi %min3A_166, %or3A_180 : vector<128x128xi32>
    %min3A_183 = arith.minsi %min3A_168, %max3A_182 : vector<128x128xi32>
    %max3A_184 = arith.maxsi %min3A_168, %max3A_182 : vector<128x128xi32>
    %min3A_185 = arith.minsi %min3A_170, %max3A_184 : vector<128x128xi32>
    %max3A_186 = arith.maxsi %min3A_170, %max3A_184 : vector<128x128xi32>
    %min3A_187 = arith.minsi %min3A_172, %max3A_186 : vector<128x128xi32>
    %slice3A_188 = vector.extract_strided_slice %sub3A {offsets = [0, 1408], sizes = [128, 128], strides = [1, 1]} : vector<128x8192xf32> to vector<128x128xf32>
    %bitcast_convert_type3A_189 = tpu.bitcast %slice3A_188 : vector<128x128xf32> -> vector<128x128xi32>
    %and3A_190 = arith.constant -64 : i32
    %and3A_191 = vector.broadcast %and3A_190 : i32 to vector<128x128xi32>
    %and3A_192 = arith.andi %bitcast_convert_type3A_189, %and3A_191 : vector<128x128xi32>
    %or3A_193 = arith.constant 11 : i32
    %or3A_194 = vector.broadcast %or3A_193 : i32 to vector<128x128xi32>
    %or3A_195 = arith.ori %and3A_192, %or3A_194 : vector<128x128xi32>
    %min3A_196 = arith.minsi %min3A_181, %or3A_195 : vector<128x128xi32>
    %max3A_197 = arith.maxsi %min3A_181, %or3A_195 : vector<128x128xi32>
    %min3A_198 = arith.minsi %min3A_183, %max3A_197 : vector<128x128xi32>
    %max3A_199 = arith.maxsi %min3A_183, %max3A_197 : vector<128x128xi32>
    %min3A_200 = arith.minsi %min3A_185, %max3A_199 : vector<128x128xi32>
    %max3A_201 = arith.maxsi %min3A_185, %max3A_199 : vector<128x128xi32>
    %min3A_202 = arith.minsi %min3A_187, %max3A_201 : vector<128x128xi32>
    %slice3A_203 = vector.extract_strided_slice %sub3A {offsets = [0, 1536], sizes = [128, 128], strides = [1, 1]} : vector<128x8192xf32> to vector<128x128xf32>
    %bitcast_convert_type3A_204 = tpu.bitcast %slice3A_203 : vector<128x128xf32> -> vector<128x128xi32>
    %and3A_205 = arith.constant -64 : i32
    %and3A_206 = vector.broadcast %and3A_205 : i32 to vector<128x128xi32>
    %and3A_207 = arith.andi %bitcast_convert_type3A_204, %and3A_206 : vector<128x128xi32>
    %or3A_208 = arith.constant 12 : i32
    %or3A_209 = vector.broadcast %or3A_208 : i32 to vector<128x128xi32>
    %or3A_210 = arith.ori %and3A_207, %or3A_209 : vector<128x128xi32>
    %min3A_211 = arith.minsi %min3A_196, %or3A_210 : vector<128x128xi32>
    %max3A_212 = arith.maxsi %min3A_196, %or3A_210 : vector<128x128xi32>
    %min3A_213 = arith.minsi %min3A_198, %max3A_212 : vector<128x128xi32>
    %max3A_214 = arith.maxsi %min3A_198, %max3A_212 : vector<128x128xi32>
    %min3A_215 = arith.minsi %min3A_200, %max3A_214 : vector<128x128xi32>
    %max3A_216 = arith.maxsi %min3A_200, %max3A_214 : vector<128x128xi32>
    %min3A_217 = arith.minsi %min3A_202, %max3A_216 : vector<128x128xi32>
    %slice3A_218 = vector.extract_strided_slice %sub3A {offsets = [0, 1664], sizes = [128, 128], strides = [1, 1]} : vector<128x8192xf32> to vector<128x128xf32>
    %bitcast_convert_type3A_219 = tpu.bitcast %slice3A_218 : vector<128x128xf32> -> vector<128x128xi32>
    %and3A_220 = arith.constant -64 : i32
    %and3A_221 = vector.broadcast %and3A_220 : i32 to vector<128x128xi32>
    %and3A_222 = arith.andi %bitcast_convert_type3A_219, %and3A_221 : vector<128x128xi32>
    %or3A_223 = arith.constant 13 : i32
    %or3A_224 = vector.broadcast %or3A_223 : i32 to vector<128x128xi32>
    %or3A_225 = arith.ori %and3A_222, %or3A_224 : vector<128x128xi32>
    %min3A_226 = arith.minsi %min3A_211, %or3A_225 : vector<128x128xi32>
    %max3A_227 = arith.maxsi %min3A_211, %or3A_225 : vector<128x128xi32>
    %min3A_228 = arith.minsi %min3A_213, %max3A_227 : vector<128x128xi32>
    %max3A_229 = arith.maxsi %min3A_213, %max3A_227 : vector<128x128xi32>
    %min3A_230 = arith.minsi %min3A_215, %max3A_229 : vector<128x128xi32>
    %max3A_231 = arith.maxsi %min3A_215, %max3A_229 : vector<128x128xi32>
    %min3A_232 = arith.minsi %min3A_217, %max3A_231 : vector<128x128xi32>
    %slice3A_233 = vector.extract_strided_slice %sub3A {offsets = [0, 1792], sizes = [128, 128], strides = [1, 1]} : vector<128x8192xf32> to vector<128x128xf32>
    %bitcast_convert_type3A_234 = tpu.bitcast %slice3A_233 : vector<128x128xf32> -> vector<128x128xi32>
    %and3A_235 = arith.constant -64 : i32
    %and3A_236 = vector.broadcast %and3A_235 : i32 to vector<128x128xi32>
    %and3A_237 = arith.andi %bitcast_convert_type3A_234, %and3A_236 : vector<128x128xi32>
    %or3A_238 = arith.constant 14 : i32
    %or3A_239 = vector.broadcast %or3A_238 : i32 to vector<128x128xi32>
    %or3A_240 = arith.ori %and3A_237, %or3A_239 : vector<128x128xi32>
    %min3A_241 = arith.minsi %min3A_226, %or3A_240 : vector<128x128xi32>
    %max3A_242 = arith.maxsi %min3A_226, %or3A_240 : vector<128x128xi32>
    %min3A_243 = arith.minsi %min3A_228, %max3A_242 : vector<128x128xi32>
    %max3A_244 = arith.maxsi %min3A_228, %max3A_242 : vector<128x128xi32>
    %min3A_245 = arith.minsi %min3A_230, %max3A_244 : vector<128x128xi32>
    %max3A_246 = arith.maxsi %min3A_230, %max3A_244 : vector<128x128xi32>
    %min3A_247 = arith.minsi %min3A_232, %max3A_246 : vector<128x128xi32>
    %slice3A_248 = vector.extract_strided_slice %sub3A {offsets = [0, 1920], sizes = [128, 128], strides = [1, 1]} : vector<128x8192xf32> to vector<128x128xf32>
    %bitcast_convert_type3A_249 = tpu.bitcast %slice3A_248 : vector<128x128xf32> -> vector<128x128xi32>
    %and3A_250 = arith.constant -64 : i32
    %and3A_251 = vector.broadcast %and3A_250 : i32 to vector<128x128xi32>
    %and3A_252 = arith.andi %bitcast_convert_type3A_249, %and3A_251 : vector<128x128xi32>
    %or3A_253 = arith.constant 15 : i32
    %or3A_254 = vector.broadcast %or3A_253 : i32 to vector<128x128xi32>
    %or3A_255 = arith.ori %and3A_252, %or3A_254 : vector<128x128xi32>
    %min3A_256 = arith.minsi %min3A_241, %or3A_255 : vector<128x128xi32>
    %max3A_257 = arith.maxsi %min3A_241, %or3A_255 : vector<128x128xi32>
    %min3A_258 = arith.minsi %min3A_243, %max3A_257 : vector<128x128xi32>
    %max3A_259 = arith.maxsi %min3A_243, %max3A_257 : vector<128x128xi32>
    %min3A_260 = arith.minsi %min3A_245, %max3A_259 : vector<128x128xi32>
    %max3A_261 = arith.maxsi %min3A_245, %max3A_259 : vector<128x128xi32>
    %min3A_262 = arith.minsi %min3A_247, %max3A_261 : vector<128x128xi32>
    %slice3A_263 = vector.extract_strided_slice %sub3A {offsets = [0, 2048], sizes = [128, 128], strides = [1, 1]} : vector<128x8192xf32> to vector<128x128xf32>
    %bitcast_convert_type3A_264 = tpu.bitcast %slice3A_263 : vector<128x128xf32> -> vector<128x128xi32>
    %and3A_265 = arith.constant -64 : i32
    %and3A_266 = vector.broadcast %and3A_265 : i32 to vector<128x128xi32>
    %and3A_267 = arith.andi %bitcast_convert_type3A_264, %and3A_266 : vector<128x128xi32>
    %or3A_268 = arith.constant 16 : i32
    %or3A_269 = vector.broadcast %or3A_268 : i32 to vector<128x128xi32>
    %or3A_270 = arith.ori %and3A_267, %or3A_269 : vector<128x128xi32>
    %min3A_271 = arith.minsi %min3A_256, %or3A_270 : vector<128x128xi32>
    %max3A_272 = arith.maxsi %min3A_256, %or3A_270 : vector<128x128xi32>
    %min3A_273 = arith.minsi %min3A_258, %max3A_272 : vector<128x128xi32>
    %max3A_274 = arith.maxsi %min3A_258, %max3A_272 : vector<128x128xi32>
    %min3A_275 = arith.minsi %min3A_260, %max3A_274 : vector<128x128xi32>
    %max3A_276 = arith.maxsi %min3A_260, %max3A_274 : vector<128x128xi32>
    %min3A_277 = arith.minsi %min3A_262, %max3A_276 : vector<128x128xi32>
    %slice3A_278 = vector.extract_strided_slice %sub3A {offsets = [0, 2176], sizes = [128, 128], strides = [1, 1]} : vector<128x8192xf32> to vector<128x128xf32>
    %bitcast_convert_type3A_279 = tpu.bitcast %slice3A_278 : vector<128x128xf32> -> vector<128x128xi32>
    %and3A_280 = arith.constant -64 : i32
    %and3A_281 = vector.broadcast %and3A_280 : i32 to vector<128x128xi32>
    %and3A_282 = arith.andi %bitcast_convert_type3A_279, %and3A_281 : vector<128x128xi32>
    %or3A_283 = arith.constant 17 : i32
    %or3A_284 = vector.broadcast %or3A_283 : i32 to vector<128x128xi32>
    %or3A_285 = arith.ori %and3A_282, %or3A_284 : vector<128x128xi32>
    %min3A_286 = arith.minsi %min3A_271, %or3A_285 : vector<128x128xi32>
    %max3A_287 = arith.maxsi %min3A_271, %or3A_285 : vector<128x128xi32>
    %min3A_288 = arith.minsi %min3A_273, %max3A_287 : vector<128x128xi32>
    %max3A_289 = arith.maxsi %min3A_273, %max3A_287 : vector<128x128xi32>
    %min3A_290 = arith.minsi %min3A_275, %max3A_289 : vector<128x128xi32>
    %max3A_291 = arith.maxsi %min3A_275, %max3A_289 : vector<128x128xi32>
    %min3A_292 = arith.minsi %min3A_277, %max3A_291 : vector<128x128xi32>
    %slice3A_293 = vector.extract_strided_slice %sub3A {offsets = [0, 2304], sizes = [128, 128], strides = [1, 1]} : vector<128x8192xf32> to vector<128x128xf32>
    %bitcast_convert_type3A_294 = tpu.bitcast %slice3A_293 : vector<128x128xf32> -> vector<128x128xi32>
    %and3A_295 = arith.constant -64 : i32
    %and3A_296 = vector.broadcast %and3A_295 : i32 to vector<128x128xi32>
    %and3A_297 = arith.andi %bitcast_convert_type3A_294, %and3A_296 : vector<128x128xi32>
    %or3A_298 = arith.constant 18 : i32
    %or3A_299 = vector.broadcast %or3A_298 : i32 to vector<128x128xi32>
    %or3A_300 = arith.ori %and3A_297, %or3A_299 : vector<128x128xi32>
    %min3A_301 = arith.minsi %min3A_286, %or3A_300 : vector<128x128xi32>
    %max3A_302 = arith.maxsi %min3A_286, %or3A_300 : vector<128x128xi32>
    %min3A_303 = arith.minsi %min3A_288, %max3A_302 : vector<128x128xi32>
    %max3A_304 = arith.maxsi %min3A_288, %max3A_302 : vector<128x128xi32>
    %min3A_305 = arith.minsi %min3A_290, %max3A_304 : vector<128x128xi32>
    %max3A_306 = arith.maxsi %min3A_290, %max3A_304 : vector<128x128xi32>
    %min3A_307 = arith.minsi %min3A_292, %max3A_306 : vector<128x128xi32>
    %slice3A_308 = vector.extract_strided_slice %sub3A {offsets = [0, 2432], sizes = [128, 128], strides = [1, 1]} : vector<128x8192xf32> to vector<128x128xf32>
    %bitcast_convert_type3A_309 = tpu.bitcast %slice3A_308 : vector<128x128xf32> -> vector<128x128xi32>
    %and3A_310 = arith.constant -64 : i32
    %and3A_311 = vector.broadcast %and3A_310 : i32 to vector<128x128xi32>
    %and3A_312 = arith.andi %bitcast_convert_type3A_309, %and3A_311 : vector<128x128xi32>
    %or3A_313 = arith.constant 19 : i32
    %or3A_314 = vector.broadcast %or3A_313 : i32 to vector<128x128xi32>
    %or3A_315 = arith.ori %and3A_312, %or3A_314 : vector<128x128xi32>
    %min3A_316 = arith.minsi %min3A_301, %or3A_315 : vector<128x128xi32>
    %max3A_317 = arith.maxsi %min3A_301, %or3A_315 : vector<128x128xi32>
    %min3A_318 = arith.minsi %min3A_303, %max3A_317 : vector<128x128xi32>
    %max3A_319 = arith.maxsi %min3A_303, %max3A_317 : vector<128x128xi32>
    %min3A_320 = arith.minsi %min3A_305, %max3A_319 : vector<128x128xi32>
    %max3A_321 = arith.maxsi %min3A_305, %max3A_319 : vector<128x128xi32>
    %min3A_322 = arith.minsi %min3A_307, %max3A_321 : vector<128x128xi32>
    %slice3A_323 = vector.extract_strided_slice %sub3A {offsets = [0, 2560], sizes = [128, 128], strides = [1, 1]} : vector<128x8192xf32> to vector<128x128xf32>
    %bitcast_convert_type3A_324 = tpu.bitcast %slice3A_323 : vector<128x128xf32> -> vector<128x128xi32>
    %and3A_325 = arith.constant -64 : i32
    %and3A_326 = vector.broadcast %and3A_325 : i32 to vector<128x128xi32>
    %and3A_327 = arith.andi %bitcast_convert_type3A_324, %and3A_326 : vector<128x128xi32>
    %or3A_328 = arith.constant 20 : i32
    %or3A_329 = vector.broadcast %or3A_328 : i32 to vector<128x128xi32>
    %or3A_330 = arith.ori %and3A_327, %or3A_329 : vector<128x128xi32>
    %min3A_331 = arith.minsi %min3A_316, %or3A_330 : vector<128x128xi32>
    %max3A_332 = arith.maxsi %min3A_316, %or3A_330 : vector<128x128xi32>
    %min3A_333 = arith.minsi %min3A_318, %max3A_332 : vector<128x128xi32>
    %max3A_334 = arith.maxsi %min3A_318, %max3A_332 : vector<128x128xi32>
    %min3A_335 = arith.minsi %min3A_320, %max3A_334 : vector<128x128xi32>
    %max3A_336 = arith.maxsi %min3A_320, %max3A_334 : vector<128x128xi32>
    %min3A_337 = arith.minsi %min3A_322, %max3A_336 : vector<128x128xi32>
    %slice3A_338 = vector.extract_strided_slice %sub3A {offsets = [0, 2688], sizes = [128, 128], strides = [1, 1]} : vector<128x8192xf32> to vector<128x128xf32>
    %bitcast_convert_type3A_339 = tpu.bitcast %slice3A_338 : vector<128x128xf32> -> vector<128x128xi32>
    %and3A_340 = arith.constant -64 : i32
    %and3A_341 = vector.broadcast %and3A_340 : i32 to vector<128x128xi32>
    %and3A_342 = arith.andi %bitcast_convert_type3A_339, %and3A_341 : vector<128x128xi32>
    %or3A_343 = arith.constant 21 : i32
    %or3A_344 = vector.broadcast %or3A_343 : i32 to vector<128x128xi32>
    %or3A_345 = arith.ori %and3A_342, %or3A_344 : vector<128x128xi32>
    %min3A_346 = arith.minsi %min3A_331, %or3A_345 : vector<128x128xi32>
    %max3A_347 = arith.maxsi %min3A_331, %or3A_345 : vector<128x128xi32>
    %min3A_348 = arith.minsi %min3A_333, %max3A_347 : vector<128x128xi32>
    %max3A_349 = arith.maxsi %min3A_333, %max3A_347 : vector<128x128xi32>
    %min3A_350 = arith.minsi %min3A_335, %max3A_349 : vector<128x128xi32>
    %max3A_351 = arith.maxsi %min3A_335, %max3A_349 : vector<128x128xi32>
    %min3A_352 = arith.minsi %min3A_337, %max3A_351 : vector<128x128xi32>
    %slice3A_353 = vector.extract_strided_slice %sub3A {offsets = [0, 2816], sizes = [128, 128], strides = [1, 1]} : vector<128x8192xf32> to vector<128x128xf32>
    %bitcast_convert_type3A_354 = tpu.bitcast %slice3A_353 : vector<128x128xf32> -> vector<128x128xi32>
    %and3A_355 = arith.constant -64 : i32
    %and3A_356 = vector.broadcast %and3A_355 : i32 to vector<128x128xi32>
    %and3A_357 = arith.andi %bitcast_convert_type3A_354, %and3A_356 : vector<128x128xi32>
    %or3A_358 = arith.constant 22 : i32
    %or3A_359 = vector.broadcast %or3A_358 : i32 to vector<128x128xi32>
    %or3A_360 = arith.ori %and3A_357, %or3A_359 : vector<128x128xi32>
    %min3A_361 = arith.minsi %min3A_346, %or3A_360 : vector<128x128xi32>
    %max3A_362 = arith.maxsi %min3A_346, %or3A_360 : vector<128x128xi32>
    %min3A_363 = arith.minsi %min3A_348, %max3A_362 : vector<128x128xi32>
    %max3A_364 = arith.maxsi %min3A_348, %max3A_362 : vector<128x128xi32>
    %min3A_365 = arith.minsi %min3A_350, %max3A_364 : vector<128x128xi32>
    %max3A_366 = arith.maxsi %min3A_350, %max3A_364 : vector<128x128xi32>
    %min3A_367 = arith.minsi %min3A_352, %max3A_366 : vector<128x128xi32>
    %slice3A_368 = vector.extract_strided_slice %sub3A {offsets = [0, 2944], sizes = [128, 128], strides = [1, 1]} : vector<128x8192xf32> to vector<128x128xf32>
    %bitcast_convert_type3A_369 = tpu.bitcast %slice3A_368 : vector<128x128xf32> -> vector<128x128xi32>
    %and3A_370 = arith.constant -64 : i32
    %and3A_371 = vector.broadcast %and3A_370 : i32 to vector<128x128xi32>
    %and3A_372 = arith.andi %bitcast_convert_type3A_369, %and3A_371 : vector<128x128xi32>
    %or3A_373 = arith.constant 23 : i32
    %or3A_374 = vector.broadcast %or3A_373 : i32 to vector<128x128xi32>
    %or3A_375 = arith.ori %and3A_372, %or3A_374 : vector<128x128xi32>
    %min3A_376 = arith.minsi %min3A_361, %or3A_375 : vector<128x128xi32>
    %max3A_377 = arith.maxsi %min3A_361, %or3A_375 : vector<128x128xi32>
    %min3A_378 = arith.minsi %min3A_363, %max3A_377 : vector<128x128xi32>
    %max3A_379 = arith.maxsi %min3A_363, %max3A_377 : vector<128x128xi32>
    %min3A_380 = arith.minsi %min3A_365, %max3A_379 : vector<128x128xi32>
    %max3A_381 = arith.maxsi %min3A_365, %max3A_379 : vector<128x128xi32>
    %min3A_382 = arith.minsi %min3A_367, %max3A_381 : vector<128x128xi32>
    %slice3A_383 = vector.extract_strided_slice %sub3A {offsets = [0, 3072], sizes = [128, 128], strides = [1, 1]} : vector<128x8192xf32> to vector<128x128xf32>
    %bitcast_convert_type3A_384 = tpu.bitcast %slice3A_383 : vector<128x128xf32> -> vector<128x128xi32>
    %and3A_385 = arith.constant -64 : i32
    %and3A_386 = vector.broadcast %and3A_385 : i32 to vector<128x128xi32>
    %and3A_387 = arith.andi %bitcast_convert_type3A_384, %and3A_386 : vector<128x128xi32>
    %or3A_388 = arith.constant 24 : i32
    %or3A_389 = vector.broadcast %or3A_388 : i32 to vector<128x128xi32>
    %or3A_390 = arith.ori %and3A_387, %or3A_389 : vector<128x128xi32>
    %min3A_391 = arith.minsi %min3A_376, %or3A_390 : vector<128x128xi32>
    %max3A_392 = arith.maxsi %min3A_376, %or3A_390 : vector<128x128xi32>
    %min3A_393 = arith.minsi %min3A_378, %max3A_392 : vector<128x128xi32>
    %max3A_394 = arith.maxsi %min3A_378, %max3A_392 : vector<128x128xi32>
    %min3A_395 = arith.minsi %min3A_380, %max3A_394 : vector<128x128xi32>
    %max3A_396 = arith.maxsi %min3A_380, %max3A_394 : vector<128x128xi32>
    %min3A_397 = arith.minsi %min3A_382, %max3A_396 : vector<128x128xi32>
    %slice3A_398 = vector.extract_strided_slice %sub3A {offsets = [0, 3200], sizes = [128, 128], strides = [1, 1]} : vector<128x8192xf32> to vector<128x128xf32>
    %bitcast_convert_type3A_399 = tpu.bitcast %slice3A_398 : vector<128x128xf32> -> vector<128x128xi32>
    %and3A_400 = arith.constant -64 : i32
    %and3A_401 = vector.broadcast %and3A_400 : i32 to vector<128x128xi32>
    %and3A_402 = arith.andi %bitcast_convert_type3A_399, %and3A_401 : vector<128x128xi32>
    %or3A_403 = arith.constant 25 : i32
    %or3A_404 = vector.broadcast %or3A_403 : i32 to vector<128x128xi32>
    %or3A_405 = arith.ori %and3A_402, %or3A_404 : vector<128x128xi32>
    %min3A_406 = arith.minsi %min3A_391, %or3A_405 : vector<128x128xi32>
    %max3A_407 = arith.maxsi %min3A_391, %or3A_405 : vector<128x128xi32>
    %min3A_408 = arith.minsi %min3A_393, %max3A_407 : vector<128x128xi32>
    %max3A_409 = arith.maxsi %min3A_393, %max3A_407 : vector<128x128xi32>
    %min3A_410 = arith.minsi %min3A_395, %max3A_409 : vector<128x128xi32>
    %max3A_411 = arith.maxsi %min3A_395, %max3A_409 : vector<128x128xi32>
    %min3A_412 = arith.minsi %min3A_397, %max3A_411 : vector<128x128xi32>
    %slice3A_413 = vector.extract_strided_slice %sub3A {offsets = [0, 3328], sizes = [128, 128], strides = [1, 1]} : vector<128x8192xf32> to vector<128x128xf32>
    %bitcast_convert_type3A_414 = tpu.bitcast %slice3A_413 : vector<128x128xf32> -> vector<128x128xi32>
    %and3A_415 = arith.constant -64 : i32
    %and3A_416 = vector.broadcast %and3A_415 : i32 to vector<128x128xi32>
    %and3A_417 = arith.andi %bitcast_convert_type3A_414, %and3A_416 : vector<128x128xi32>
    %or3A_418 = arith.constant 26 : i32
    %or3A_419 = vector.broadcast %or3A_418 : i32 to vector<128x128xi32>
    %or3A_420 = arith.ori %and3A_417, %or3A_419 : vector<128x128xi32>
    %min3A_421 = arith.minsi %min3A_406, %or3A_420 : vector<128x128xi32>
    %max3A_422 = arith.maxsi %min3A_406, %or3A_420 : vector<128x128xi32>
    %min3A_423 = arith.minsi %min3A_408, %max3A_422 : vector<128x128xi32>
    %max3A_424 = arith.maxsi %min3A_408, %max3A_422 : vector<128x128xi32>
    %min3A_425 = arith.minsi %min3A_410, %max3A_424 : vector<128x128xi32>
    %max3A_426 = arith.maxsi %min3A_410, %max3A_424 : vector<128x128xi32>
    %min3A_427 = arith.minsi %min3A_412, %max3A_426 : vector<128x128xi32>
    %slice3A_428 = vector.extract_strided_slice %sub3A {offsets = [0, 3456], sizes = [128, 128], strides = [1, 1]} : vector<128x8192xf32> to vector<128x128xf32>
    %bitcast_convert_type3A_429 = tpu.bitcast %slice3A_428 : vector<128x128xf32> -> vector<128x128xi32>
    %and3A_430 = arith.constant -64 : i32
    %and3A_431 = vector.broadcast %and3A_430 : i32 to vector<128x128xi32>
    %and3A_432 = arith.andi %bitcast_convert_type3A_429, %and3A_431 : vector<128x128xi32>
    %or3A_433 = arith.constant 27 : i32
    %or3A_434 = vector.broadcast %or3A_433 : i32 to vector<128x128xi32>
    %or3A_435 = arith.ori %and3A_432, %or3A_434 : vector<128x128xi32>
    %min3A_436 = arith.minsi %min3A_421, %or3A_435 : vector<128x128xi32>
    %max3A_437 = arith.maxsi %min3A_421, %or3A_435 : vector<128x128xi32>
    %min3A_438 = arith.minsi %min3A_423, %max3A_437 : vector<128x128xi32>
    %max3A_439 = arith.maxsi %min3A_423, %max3A_437 : vector<128x128xi32>
    %min3A_440 = arith.minsi %min3A_425, %max3A_439 : vector<128x128xi32>
    %max3A_441 = arith.maxsi %min3A_425, %max3A_439 : vector<128x128xi32>
    %min3A_442 = arith.minsi %min3A_427, %max3A_441 : vector<128x128xi32>
    %slice3A_443 = vector.extract_strided_slice %sub3A {offsets = [0, 3584], sizes = [128, 128], strides = [1, 1]} : vector<128x8192xf32> to vector<128x128xf32>
    %bitcast_convert_type3A_444 = tpu.bitcast %slice3A_443 : vector<128x128xf32> -> vector<128x128xi32>
    %and3A_445 = arith.constant -64 : i32
    %and3A_446 = vector.broadcast %and3A_445 : i32 to vector<128x128xi32>
    %and3A_447 = arith.andi %bitcast_convert_type3A_444, %and3A_446 : vector<128x128xi32>
    %or3A_448 = arith.constant 28 : i32
    %or3A_449 = vector.broadcast %or3A_448 : i32 to vector<128x128xi32>
    %or3A_450 = arith.ori %and3A_447, %or3A_449 : vector<128x128xi32>
    %min3A_451 = arith.minsi %min3A_436, %or3A_450 : vector<128x128xi32>
    %max3A_452 = arith.maxsi %min3A_436, %or3A_450 : vector<128x128xi32>
    %min3A_453 = arith.minsi %min3A_438, %max3A_452 : vector<128x128xi32>
    %max3A_454 = arith.maxsi %min3A_438, %max3A_452 : vector<128x128xi32>
    %min3A_455 = arith.minsi %min3A_440, %max3A_454 : vector<128x128xi32>
    %max3A_456 = arith.maxsi %min3A_440, %max3A_454 : vector<128x128xi32>
    %min3A_457 = arith.minsi %min3A_442, %max3A_456 : vector<128x128xi32>
    %slice3A_458 = vector.extract_strided_slice %sub3A {offsets = [0, 3712], sizes = [128, 128], strides = [1, 1]} : vector<128x8192xf32> to vector<128x128xf32>
    %bitcast_convert_type3A_459 = tpu.bitcast %slice3A_458 : vector<128x128xf32> -> vector<128x128xi32>
    %and3A_460 = arith.constant -64 : i32
    %and3A_461 = vector.broadcast %and3A_460 : i32 to vector<128x128xi32>
    %and3A_462 = arith.andi %bitcast_convert_type3A_459, %and3A_461 : vector<128x128xi32>
    %or3A_463 = arith.constant 29 : i32
    %or3A_464 = vector.broadcast %or3A_463 : i32 to vector<128x128xi32>
    %or3A_465 = arith.ori %and3A_462, %or3A_464 : vector<128x128xi32>
    %min3A_466 = arith.minsi %min3A_451, %or3A_465 : vector<128x128xi32>
    %max3A_467 = arith.maxsi %min3A_451, %or3A_465 : vector<128x128xi32>
    %min3A_468 = arith.minsi %min3A_453, %max3A_467 : vector<128x128xi32>
    %max3A_469 = arith.maxsi %min3A_453, %max3A_467 : vector<128x128xi32>
    %min3A_470 = arith.minsi %min3A_455, %max3A_469 : vector<128x128xi32>
    %max3A_471 = arith.maxsi %min3A_455, %max3A_469 : vector<128x128xi32>
    %min3A_472 = arith.minsi %min3A_457, %max3A_471 : vector<128x128xi32>
    %slice3A_473 = vector.extract_strided_slice %sub3A {offsets = [0, 3840], sizes = [128, 128], strides = [1, 1]} : vector<128x8192xf32> to vector<128x128xf32>
    %bitcast_convert_type3A_474 = tpu.bitcast %slice3A_473 : vector<128x128xf32> -> vector<128x128xi32>
    %and3A_475 = arith.constant -64 : i32
    %and3A_476 = vector.broadcast %and3A_475 : i32 to vector<128x128xi32>
    %and3A_477 = arith.andi %bitcast_convert_type3A_474, %and3A_476 : vector<128x128xi32>
    %or3A_478 = arith.constant 30 : i32
    %or3A_479 = vector.broadcast %or3A_478 : i32 to vector<128x128xi32>
    %or3A_480 = arith.ori %and3A_477, %or3A_479 : vector<128x128xi32>
    %min3A_481 = arith.minsi %min3A_466, %or3A_480 : vector<128x128xi32>
    %max3A_482 = arith.maxsi %min3A_466, %or3A_480 : vector<128x128xi32>
    %min3A_483 = arith.minsi %min3A_468, %max3A_482 : vector<128x128xi32>
    %max3A_484 = arith.maxsi %min3A_468, %max3A_482 : vector<128x128xi32>
    %min3A_485 = arith.minsi %min3A_470, %max3A_484 : vector<128x128xi32>
    %max3A_486 = arith.maxsi %min3A_470, %max3A_484 : vector<128x128xi32>
    %min3A_487 = arith.minsi %min3A_472, %max3A_486 : vector<128x128xi32>
    %slice3A_488 = vector.extract_strided_slice %sub3A {offsets = [0, 3968], sizes = [128, 128], strides = [1, 1]} : vector<128x8192xf32> to vector<128x128xf32>
    %bitcast_convert_type3A_489 = tpu.bitcast %slice3A_488 : vector<128x128xf32> -> vector<128x128xi32>
    %and3A_490 = arith.constant -64 : i32
    %and3A_491 = vector.broadcast %and3A_490 : i32 to vector<128x128xi32>
    %and3A_492 = arith.andi %bitcast_convert_type3A_489, %and3A_491 : vector<128x128xi32>
    %or3A_493 = arith.constant 31 : i32
    %or3A_494 = vector.broadcast %or3A_493 : i32 to vector<128x128xi32>
    %or3A_495 = arith.ori %and3A_492, %or3A_494 : vector<128x128xi32>
    %min3A_496 = arith.minsi %min3A_481, %or3A_495 : vector<128x128xi32>
    %max3A_497 = arith.maxsi %min3A_481, %or3A_495 : vector<128x128xi32>
    %min3A_498 = arith.minsi %min3A_483, %max3A_497 : vector<128x128xi32>
    %max3A_499 = arith.maxsi %min3A_483, %max3A_497 : vector<128x128xi32>
    %min3A_500 = arith.minsi %min3A_485, %max3A_499 : vector<128x128xi32>
    %max3A_501 = arith.maxsi %min3A_485, %max3A_499 : vector<128x128xi32>
    %min3A_502 = arith.minsi %min3A_487, %max3A_501 : vector<128x128xi32>
    %slice3A_503 = vector.extract_strided_slice %sub3A {offsets = [0, 4096], sizes = [128, 128], strides = [1, 1]} : vector<128x8192xf32> to vector<128x128xf32>
    %bitcast_convert_type3A_504 = tpu.bitcast %slice3A_503 : vector<128x128xf32> -> vector<128x128xi32>
    %and3A_505 = arith.constant -64 : i32
    %and3A_506 = vector.broadcast %and3A_505 : i32 to vector<128x128xi32>
    %and3A_507 = arith.andi %bitcast_convert_type3A_504, %and3A_506 : vector<128x128xi32>
    %or3A_508 = arith.constant 32 : i32
    %or3A_509 = vector.broadcast %or3A_508 : i32 to vector<128x128xi32>
    %or3A_510 = arith.ori %and3A_507, %or3A_509 : vector<128x128xi32>
    %min3A_511 = arith.minsi %min3A_496, %or3A_510 : vector<128x128xi32>
    %max3A_512 = arith.maxsi %min3A_496, %or3A_510 : vector<128x128xi32>
    %min3A_513 = arith.minsi %min3A_498, %max3A_512 : vector<128x128xi32>
    %max3A_514 = arith.maxsi %min3A_498, %max3A_512 : vector<128x128xi32>
    %min3A_515 = arith.minsi %min3A_500, %max3A_514 : vector<128x128xi32>
    %max3A_516 = arith.maxsi %min3A_500, %max3A_514 : vector<128x128xi32>
    %min3A_517 = arith.minsi %min3A_502, %max3A_516 : vector<128x128xi32>
    %slice3A_518 = vector.extract_strided_slice %sub3A {offsets = [0, 4224], sizes = [128, 128], strides = [1, 1]} : vector<128x8192xf32> to vector<128x128xf32>
    %bitcast_convert_type3A_519 = tpu.bitcast %slice3A_518 : vector<128x128xf32> -> vector<128x128xi32>
    %and3A_520 = arith.constant -64 : i32
    %and3A_521 = vector.broadcast %and3A_520 : i32 to vector<128x128xi32>
    %and3A_522 = arith.andi %bitcast_convert_type3A_519, %and3A_521 : vector<128x128xi32>
    %or3A_523 = arith.constant 33 : i32
    %or3A_524 = vector.broadcast %or3A_523 : i32 to vector<128x128xi32>
    %or3A_525 = arith.ori %and3A_522, %or3A_524 : vector<128x128xi32>
    %min3A_526 = arith.minsi %min3A_511, %or3A_525 : vector<128x128xi32>
    %max3A_527 = arith.maxsi %min3A_511, %or3A_525 : vector<128x128xi32>
    %min3A_528 = arith.minsi %min3A_513, %max3A_527 : vector<128x128xi32>
    %max3A_529 = arith.maxsi %min3A_513, %max3A_527 : vector<128x128xi32>
    %min3A_530 = arith.minsi %min3A_515, %max3A_529 : vector<128x128xi32>
    %max3A_531 = arith.maxsi %min3A_515, %max3A_529 : vector<128x128xi32>
    %min3A_532 = arith.minsi %min3A_517, %max3A_531 : vector<128x128xi32>
    %slice3A_533 = vector.extract_strided_slice %sub3A {offsets = [0, 4352], sizes = [128, 128], strides = [1, 1]} : vector<128x8192xf32> to vector<128x128xf32>
    %bitcast_convert_type3A_534 = tpu.bitcast %slice3A_533 : vector<128x128xf32> -> vector<128x128xi32>
    %and3A_535 = arith.constant -64 : i32
    %and3A_536 = vector.broadcast %and3A_535 : i32 to vector<128x128xi32>
    %and3A_537 = arith.andi %bitcast_convert_type3A_534, %and3A_536 : vector<128x128xi32>
    %or3A_538 = arith.constant 34 : i32
    %or3A_539 = vector.broadcast %or3A_538 : i32 to vector<128x128xi32>
    %or3A_540 = arith.ori %and3A_537, %or3A_539 : vector<128x128xi32>
    %min3A_541 = arith.minsi %min3A_526, %or3A_540 : vector<128x128xi32>
    %max3A_542 = arith.maxsi %min3A_526, %or3A_540 : vector<128x128xi32>
    %min3A_543 = arith.minsi %min3A_528, %max3A_542 : vector<128x128xi32>
    %max3A_544 = arith.maxsi %min3A_528, %max3A_542 : vector<128x128xi32>
    %min3A_545 = arith.minsi %min3A_530, %max3A_544 : vector<128x128xi32>
    %max3A_546 = arith.maxsi %min3A_530, %max3A_544 : vector<128x128xi32>
    %min3A_547 = arith.minsi %min3A_532, %max3A_546 : vector<128x128xi32>
    %slice3A_548 = vector.extract_strided_slice %sub3A {offsets = [0, 4480], sizes = [128, 128], strides = [1, 1]} : vector<128x8192xf32> to vector<128x128xf32>
    %bitcast_convert_type3A_549 = tpu.bitcast %slice3A_548 : vector<128x128xf32> -> vector<128x128xi32>
    %and3A_550 = arith.constant -64 : i32
    %and3A_551 = vector.broadcast %and3A_550 : i32 to vector<128x128xi32>
    %and3A_552 = arith.andi %bitcast_convert_type3A_549, %and3A_551 : vector<128x128xi32>
    %or3A_553 = arith.constant 35 : i32
    %or3A_554 = vector.broadcast %or3A_553 : i32 to vector<128x128xi32>
    %or3A_555 = arith.ori %and3A_552, %or3A_554 : vector<128x128xi32>
    %min3A_556 = arith.minsi %min3A_541, %or3A_555 : vector<128x128xi32>
    %max3A_557 = arith.maxsi %min3A_541, %or3A_555 : vector<128x128xi32>
    %min3A_558 = arith.minsi %min3A_543, %max3A_557 : vector<128x128xi32>
    %max3A_559 = arith.maxsi %min3A_543, %max3A_557 : vector<128x128xi32>
    %min3A_560 = arith.minsi %min3A_545, %max3A_559 : vector<128x128xi32>
    %max3A_561 = arith.maxsi %min3A_545, %max3A_559 : vector<128x128xi32>
    %min3A_562 = arith.minsi %min3A_547, %max3A_561 : vector<128x128xi32>
    %slice3A_563 = vector.extract_strided_slice %sub3A {offsets = [0, 4608], sizes = [128, 128], strides = [1, 1]} : vector<128x8192xf32> to vector<128x128xf32>
    %bitcast_convert_type3A_564 = tpu.bitcast %slice3A_563 : vector<128x128xf32> -> vector<128x128xi32>
    %and3A_565 = arith.constant -64 : i32
    %and3A_566 = vector.broadcast %and3A_565 : i32 to vector<128x128xi32>
    %and3A_567 = arith.andi %bitcast_convert_type3A_564, %and3A_566 : vector<128x128xi32>
    %or3A_568 = arith.constant 36 : i32
    %or3A_569 = vector.broadcast %or3A_568 : i32 to vector<128x128xi32>
    %or3A_570 = arith.ori %and3A_567, %or3A_569 : vector<128x128xi32>
    %min3A_571 = arith.minsi %min3A_556, %or3A_570 : vector<128x128xi32>
    %max3A_572 = arith.maxsi %min3A_556, %or3A_570 : vector<128x128xi32>
    %min3A_573 = arith.minsi %min3A_558, %max3A_572 : vector<128x128xi32>
    %max3A_574 = arith.maxsi %min3A_558, %max3A_572 : vector<128x128xi32>
    %min3A_575 = arith.minsi %min3A_560, %max3A_574 : vector<128x128xi32>
    %max3A_576 = arith.maxsi %min3A_560, %max3A_574 : vector<128x128xi32>
    %min3A_577 = arith.minsi %min3A_562, %max3A_576 : vector<128x128xi32>
    %slice3A_578 = vector.extract_strided_slice %sub3A {offsets = [0, 4736], sizes = [128, 128], strides = [1, 1]} : vector<128x8192xf32> to vector<128x128xf32>
    %bitcast_convert_type3A_579 = tpu.bitcast %slice3A_578 : vector<128x128xf32> -> vector<128x128xi32>
    %and3A_580 = arith.constant -64 : i32
    %and3A_581 = vector.broadcast %and3A_580 : i32 to vector<128x128xi32>
    %and3A_582 = arith.andi %bitcast_convert_type3A_579, %and3A_581 : vector<128x128xi32>
    %or3A_583 = arith.constant 37 : i32
    %or3A_584 = vector.broadcast %or3A_583 : i32 to vector<128x128xi32>
    %or3A_585 = arith.ori %and3A_582, %or3A_584 : vector<128x128xi32>
    %min3A_586 = arith.minsi %min3A_571, %or3A_585 : vector<128x128xi32>
    %max3A_587 = arith.maxsi %min3A_571, %or3A_585 : vector<128x128xi32>
    %min3A_588 = arith.minsi %min3A_573, %max3A_587 : vector<128x128xi32>
    %max3A_589 = arith.maxsi %min3A_573, %max3A_587 : vector<128x128xi32>
    %min3A_590 = arith.minsi %min3A_575, %max3A_589 : vector<128x128xi32>
    %max3A_591 = arith.maxsi %min3A_575, %max3A_589 : vector<128x128xi32>
    %min3A_592 = arith.minsi %min3A_577, %max3A_591 : vector<128x128xi32>
    %slice3A_593 = vector.extract_strided_slice %sub3A {offsets = [0, 4864], sizes = [128, 128], strides = [1, 1]} : vector<128x8192xf32> to vector<128x128xf32>
    %bitcast_convert_type3A_594 = tpu.bitcast %slice3A_593 : vector<128x128xf32> -> vector<128x128xi32>
    %and3A_595 = arith.constant -64 : i32
    %and3A_596 = vector.broadcast %and3A_595 : i32 to vector<128x128xi32>
    %and3A_597 = arith.andi %bitcast_convert_type3A_594, %and3A_596 : vector<128x128xi32>
    %or3A_598 = arith.constant 38 : i32
    %or3A_599 = vector.broadcast %or3A_598 : i32 to vector<128x128xi32>
    %or3A_600 = arith.ori %and3A_597, %or3A_599 : vector<128x128xi32>
    %min3A_601 = arith.minsi %min3A_586, %or3A_600 : vector<128x128xi32>
    %max3A_602 = arith.maxsi %min3A_586, %or3A_600 : vector<128x128xi32>
    %min3A_603 = arith.minsi %min3A_588, %max3A_602 : vector<128x128xi32>
    %max3A_604 = arith.maxsi %min3A_588, %max3A_602 : vector<128x128xi32>
    %min3A_605 = arith.minsi %min3A_590, %max3A_604 : vector<128x128xi32>
    %max3A_606 = arith.maxsi %min3A_590, %max3A_604 : vector<128x128xi32>
    %min3A_607 = arith.minsi %min3A_592, %max3A_606 : vector<128x128xi32>
    %slice3A_608 = vector.extract_strided_slice %sub3A {offsets = [0, 4992], sizes = [128, 128], strides = [1, 1]} : vector<128x8192xf32> to vector<128x128xf32>
    %bitcast_convert_type3A_609 = tpu.bitcast %slice3A_608 : vector<128x128xf32> -> vector<128x128xi32>
    %and3A_610 = arith.constant -64 : i32
    %and3A_611 = vector.broadcast %and3A_610 : i32 to vector<128x128xi32>
    %and3A_612 = arith.andi %bitcast_convert_type3A_609, %and3A_611 : vector<128x128xi32>
    %or3A_613 = arith.constant 39 : i32
    %or3A_614 = vector.broadcast %or3A_613 : i32 to vector<128x128xi32>
    %or3A_615 = arith.ori %and3A_612, %or3A_614 : vector<128x128xi32>
    %min3A_616 = arith.minsi %min3A_601, %or3A_615 : vector<128x128xi32>
    %max3A_617 = arith.maxsi %min3A_601, %or3A_615 : vector<128x128xi32>
    %min3A_618 = arith.minsi %min3A_603, %max3A_617 : vector<128x128xi32>
    %max3A_619 = arith.maxsi %min3A_603, %max3A_617 : vector<128x128xi32>
    %min3A_620 = arith.minsi %min3A_605, %max3A_619 : vector<128x128xi32>
    %max3A_621 = arith.maxsi %min3A_605, %max3A_619 : vector<128x128xi32>
    %min3A_622 = arith.minsi %min3A_607, %max3A_621 : vector<128x128xi32>
    %slice3A_623 = vector.extract_strided_slice %sub3A {offsets = [0, 5120], sizes = [128, 128], strides = [1, 1]} : vector<128x8192xf32> to vector<128x128xf32>
    %bitcast_convert_type3A_624 = tpu.bitcast %slice3A_623 : vector<128x128xf32> -> vector<128x128xi32>
    %and3A_625 = arith.constant -64 : i32
    %and3A_626 = vector.broadcast %and3A_625 : i32 to vector<128x128xi32>
    %and3A_627 = arith.andi %bitcast_convert_type3A_624, %and3A_626 : vector<128x128xi32>
    %or3A_628 = arith.constant 40 : i32
    %or3A_629 = vector.broadcast %or3A_628 : i32 to vector<128x128xi32>
    %or3A_630 = arith.ori %and3A_627, %or3A_629 : vector<128x128xi32>
    %min3A_631 = arith.minsi %min3A_616, %or3A_630 : vector<128x128xi32>
    %max3A_632 = arith.maxsi %min3A_616, %or3A_630 : vector<128x128xi32>
    %min3A_633 = arith.minsi %min3A_618, %max3A_632 : vector<128x128xi32>
    %max3A_634 = arith.maxsi %min3A_618, %max3A_632 : vector<128x128xi32>
    %min3A_635 = arith.minsi %min3A_620, %max3A_634 : vector<128x128xi32>
    %max3A_636 = arith.maxsi %min3A_620, %max3A_634 : vector<128x128xi32>
    %min3A_637 = arith.minsi %min3A_622, %max3A_636 : vector<128x128xi32>
    %slice3A_638 = vector.extract_strided_slice %sub3A {offsets = [0, 5248], sizes = [128, 128], strides = [1, 1]} : vector<128x8192xf32> to vector<128x128xf32>
    %bitcast_convert_type3A_639 = tpu.bitcast %slice3A_638 : vector<128x128xf32> -> vector<128x128xi32>
    %and3A_640 = arith.constant -64 : i32
    %and3A_641 = vector.broadcast %and3A_640 : i32 to vector<128x128xi32>
    %and3A_642 = arith.andi %bitcast_convert_type3A_639, %and3A_641 : vector<128x128xi32>
    %or3A_643 = arith.constant 41 : i32
    %or3A_644 = vector.broadcast %or3A_643 : i32 to vector<128x128xi32>
    %or3A_645 = arith.ori %and3A_642, %or3A_644 : vector<128x128xi32>
    %min3A_646 = arith.minsi %min3A_631, %or3A_645 : vector<128x128xi32>
    %max3A_647 = arith.maxsi %min3A_631, %or3A_645 : vector<128x128xi32>
    %min3A_648 = arith.minsi %min3A_633, %max3A_647 : vector<128x128xi32>
    %max3A_649 = arith.maxsi %min3A_633, %max3A_647 : vector<128x128xi32>
    %min3A_650 = arith.minsi %min3A_635, %max3A_649 : vector<128x128xi32>
    %max3A_651 = arith.maxsi %min3A_635, %max3A_649 : vector<128x128xi32>
    %min3A_652 = arith.minsi %min3A_637, %max3A_651 : vector<128x128xi32>
    %slice3A_653 = vector.extract_strided_slice %sub3A {offsets = [0, 5376], sizes = [128, 128], strides = [1, 1]} : vector<128x8192xf32> to vector<128x128xf32>
    %bitcast_convert_type3A_654 = tpu.bitcast %slice3A_653 : vector<128x128xf32> -> vector<128x128xi32>
    %and3A_655 = arith.constant -64 : i32
    %and3A_656 = vector.broadcast %and3A_655 : i32 to vector<128x128xi32>
    %and3A_657 = arith.andi %bitcast_convert_type3A_654, %and3A_656 : vector<128x128xi32>
    %or3A_658 = arith.constant 42 : i32
    %or3A_659 = vector.broadcast %or3A_658 : i32 to vector<128x128xi32>
    %or3A_660 = arith.ori %and3A_657, %or3A_659 : vector<128x128xi32>
    %min3A_661 = arith.minsi %min3A_646, %or3A_660 : vector<128x128xi32>
    %max3A_662 = arith.maxsi %min3A_646, %or3A_660 : vector<128x128xi32>
    %min3A_663 = arith.minsi %min3A_648, %max3A_662 : vector<128x128xi32>
    %max3A_664 = arith.maxsi %min3A_648, %max3A_662 : vector<128x128xi32>
    %min3A_665 = arith.minsi %min3A_650, %max3A_664 : vector<128x128xi32>
    %max3A_666 = arith.maxsi %min3A_650, %max3A_664 : vector<128x128xi32>
    %min3A_667 = arith.minsi %min3A_652, %max3A_666 : vector<128x128xi32>
    %slice3A_668 = vector.extract_strided_slice %sub3A {offsets = [0, 5504], sizes = [128, 128], strides = [1, 1]} : vector<128x8192xf32> to vector<128x128xf32>
    %bitcast_convert_type3A_669 = tpu.bitcast %slice3A_668 : vector<128x128xf32> -> vector<128x128xi32>
    %and3A_670 = arith.constant -64 : i32
    %and3A_671 = vector.broadcast %and3A_670 : i32 to vector<128x128xi32>
    %and3A_672 = arith.andi %bitcast_convert_type3A_669, %and3A_671 : vector<128x128xi32>
    %or3A_673 = arith.constant 43 : i32
    %or3A_674 = vector.broadcast %or3A_673 : i32 to vector<128x128xi32>
    %or3A_675 = arith.ori %and3A_672, %or3A_674 : vector<128x128xi32>
    %min3A_676 = arith.minsi %min3A_661, %or3A_675 : vector<128x128xi32>
    %max3A_677 = arith.maxsi %min3A_661, %or3A_675 : vector<128x128xi32>
    %min3A_678 = arith.minsi %min3A_663, %max3A_677 : vector<128x128xi32>
    %max3A_679 = arith.maxsi %min3A_663, %max3A_677 : vector<128x128xi32>
    %min3A_680 = arith.minsi %min3A_665, %max3A_679 : vector<128x128xi32>
    %max3A_681 = arith.maxsi %min3A_665, %max3A_679 : vector<128x128xi32>
    %min3A_682 = arith.minsi %min3A_667, %max3A_681 : vector<128x128xi32>
    %slice3A_683 = vector.extract_strided_slice %sub3A {offsets = [0, 5632], sizes = [128, 128], strides = [1, 1]} : vector<128x8192xf32> to vector<128x128xf32>
    %bitcast_convert_type3A_684 = tpu.bitcast %slice3A_683 : vector<128x128xf32> -> vector<128x128xi32>
    %and3A_685 = arith.constant -64 : i32
    %and3A_686 = vector.broadcast %and3A_685 : i32 to vector<128x128xi32>
    %and3A_687 = arith.andi %bitcast_convert_type3A_684, %and3A_686 : vector<128x128xi32>
    %or3A_688 = arith.constant 44 : i32
    %or3A_689 = vector.broadcast %or3A_688 : i32 to vector<128x128xi32>
    %or3A_690 = arith.ori %and3A_687, %or3A_689 : vector<128x128xi32>
    %min3A_691 = arith.minsi %min3A_676, %or3A_690 : vector<128x128xi32>
    %max3A_692 = arith.maxsi %min3A_676, %or3A_690 : vector<128x128xi32>
    %min3A_693 = arith.minsi %min3A_678, %max3A_692 : vector<128x128xi32>
    %max3A_694 = arith.maxsi %min3A_678, %max3A_692 : vector<128x128xi32>
    %min3A_695 = arith.minsi %min3A_680, %max3A_694 : vector<128x128xi32>
    %max3A_696 = arith.maxsi %min3A_680, %max3A_694 : vector<128x128xi32>
    %min3A_697 = arith.minsi %min3A_682, %max3A_696 : vector<128x128xi32>
    %slice3A_698 = vector.extract_strided_slice %sub3A {offsets = [0, 5760], sizes = [128, 128], strides = [1, 1]} : vector<128x8192xf32> to vector<128x128xf32>
    %bitcast_convert_type3A_699 = tpu.bitcast %slice3A_698 : vector<128x128xf32> -> vector<128x128xi32>
    %and3A_700 = arith.constant -64 : i32
    %and3A_701 = vector.broadcast %and3A_700 : i32 to vector<128x128xi32>
    %and3A_702 = arith.andi %bitcast_convert_type3A_699, %and3A_701 : vector<128x128xi32>
    %or3A_703 = arith.constant 45 : i32
    %or3A_704 = vector.broadcast %or3A_703 : i32 to vector<128x128xi32>
    %or3A_705 = arith.ori %and3A_702, %or3A_704 : vector<128x128xi32>
    %min3A_706 = arith.minsi %min3A_691, %or3A_705 : vector<128x128xi32>
    %max3A_707 = arith.maxsi %min3A_691, %or3A_705 : vector<128x128xi32>
    %min3A_708 = arith.minsi %min3A_693, %max3A_707 : vector<128x128xi32>
    %max3A_709 = arith.maxsi %min3A_693, %max3A_707 : vector<128x128xi32>
    %min3A_710 = arith.minsi %min3A_695, %max3A_709 : vector<128x128xi32>
    %max3A_711 = arith.maxsi %min3A_695, %max3A_709 : vector<128x128xi32>
    %min3A_712 = arith.minsi %min3A_697, %max3A_711 : vector<128x128xi32>
    %slice3A_713 = vector.extract_strided_slice %sub3A {offsets = [0, 5888], sizes = [128, 128], strides = [1, 1]} : vector<128x8192xf32> to vector<128x128xf32>
    %bitcast_convert_type3A_714 = tpu.bitcast %slice3A_713 : vector<128x128xf32> -> vector<128x128xi32>
    %and3A_715 = arith.constant -64 : i32
    %and3A_716 = vector.broadcast %and3A_715 : i32 to vector<128x128xi32>
    %and3A_717 = arith.andi %bitcast_convert_type3A_714, %and3A_716 : vector<128x128xi32>
    %or3A_718 = arith.constant 46 : i32
    %or3A_719 = vector.broadcast %or3A_718 : i32 to vector<128x128xi32>
    %or3A_720 = arith.ori %and3A_717, %or3A_719 : vector<128x128xi32>
    %min3A_721 = arith.minsi %min3A_706, %or3A_720 : vector<128x128xi32>
    %max3A_722 = arith.maxsi %min3A_706, %or3A_720 : vector<128x128xi32>
    %min3A_723 = arith.minsi %min3A_708, %max3A_722 : vector<128x128xi32>
    %max3A_724 = arith.maxsi %min3A_708, %max3A_722 : vector<128x128xi32>
    %min3A_725 = arith.minsi %min3A_710, %max3A_724 : vector<128x128xi32>
    %max3A_726 = arith.maxsi %min3A_710, %max3A_724 : vector<128x128xi32>
    %min3A_727 = arith.minsi %min3A_712, %max3A_726 : vector<128x128xi32>
    %slice3A_728 = vector.extract_strided_slice %sub3A {offsets = [0, 6016], sizes = [128, 128], strides = [1, 1]} : vector<128x8192xf32> to vector<128x128xf32>
    %bitcast_convert_type3A_729 = tpu.bitcast %slice3A_728 : vector<128x128xf32> -> vector<128x128xi32>
    %and3A_730 = arith.constant -64 : i32
    %and3A_731 = vector.broadcast %and3A_730 : i32 to vector<128x128xi32>
    %and3A_732 = arith.andi %bitcast_convert_type3A_729, %and3A_731 : vector<128x128xi32>
    %or3A_733 = arith.constant 47 : i32
    %or3A_734 = vector.broadcast %or3A_733 : i32 to vector<128x128xi32>
    %or3A_735 = arith.ori %and3A_732, %or3A_734 : vector<128x128xi32>
    %min3A_736 = arith.minsi %min3A_721, %or3A_735 : vector<128x128xi32>
    %max3A_737 = arith.maxsi %min3A_721, %or3A_735 : vector<128x128xi32>
    %min3A_738 = arith.minsi %min3A_723, %max3A_737 : vector<128x128xi32>
    %max3A_739 = arith.maxsi %min3A_723, %max3A_737 : vector<128x128xi32>
    %min3A_740 = arith.minsi %min3A_725, %max3A_739 : vector<128x128xi32>
    %max3A_741 = arith.maxsi %min3A_725, %max3A_739 : vector<128x128xi32>
    %min3A_742 = arith.minsi %min3A_727, %max3A_741 : vector<128x128xi32>
    %slice3A_743 = vector.extract_strided_slice %sub3A {offsets = [0, 6144], sizes = [128, 128], strides = [1, 1]} : vector<128x8192xf32> to vector<128x128xf32>
    %bitcast_convert_type3A_744 = tpu.bitcast %slice3A_743 : vector<128x128xf32> -> vector<128x128xi32>
    %and3A_745 = arith.constant -64 : i32
    %and3A_746 = vector.broadcast %and3A_745 : i32 to vector<128x128xi32>
    %and3A_747 = arith.andi %bitcast_convert_type3A_744, %and3A_746 : vector<128x128xi32>
    %or3A_748 = arith.constant 48 : i32
    %or3A_749 = vector.broadcast %or3A_748 : i32 to vector<128x128xi32>
    %or3A_750 = arith.ori %and3A_747, %or3A_749 : vector<128x128xi32>
    %min3A_751 = arith.minsi %min3A_736, %or3A_750 : vector<128x128xi32>
    %max3A_752 = arith.maxsi %min3A_736, %or3A_750 : vector<128x128xi32>
    %min3A_753 = arith.minsi %min3A_738, %max3A_752 : vector<128x128xi32>
    %max3A_754 = arith.maxsi %min3A_738, %max3A_752 : vector<128x128xi32>
    %min3A_755 = arith.minsi %min3A_740, %max3A_754 : vector<128x128xi32>
    %max3A_756 = arith.maxsi %min3A_740, %max3A_754 : vector<128x128xi32>
    %min3A_757 = arith.minsi %min3A_742, %max3A_756 : vector<128x128xi32>
    %slice3A_758 = vector.extract_strided_slice %sub3A {offsets = [0, 6272], sizes = [128, 128], strides = [1, 1]} : vector<128x8192xf32> to vector<128x128xf32>
    %bitcast_convert_type3A_759 = tpu.bitcast %slice3A_758 : vector<128x128xf32> -> vector<128x128xi32>
    %and3A_760 = arith.constant -64 : i32
    %and3A_761 = vector.broadcast %and3A_760 : i32 to vector<128x128xi32>
    %and3A_762 = arith.andi %bitcast_convert_type3A_759, %and3A_761 : vector<128x128xi32>
    %or3A_763 = arith.constant 49 : i32
    %or3A_764 = vector.broadcast %or3A_763 : i32 to vector<128x128xi32>
    %or3A_765 = arith.ori %and3A_762, %or3A_764 : vector<128x128xi32>
    %min3A_766 = arith.minsi %min3A_751, %or3A_765 : vector<128x128xi32>
    %max3A_767 = arith.maxsi %min3A_751, %or3A_765 : vector<128x128xi32>
    %min3A_768 = arith.minsi %min3A_753, %max3A_767 : vector<128x128xi32>
    %max3A_769 = arith.maxsi %min3A_753, %max3A_767 : vector<128x128xi32>
    %min3A_770 = arith.minsi %min3A_755, %max3A_769 : vector<128x128xi32>
    %max3A_771 = arith.maxsi %min3A_755, %max3A_769 : vector<128x128xi32>
    %min3A_772 = arith.minsi %min3A_757, %max3A_771 : vector<128x128xi32>
    %slice3A_773 = vector.extract_strided_slice %sub3A {offsets = [0, 6400], sizes = [128, 128], strides = [1, 1]} : vector<128x8192xf32> to vector<128x128xf32>
    %bitcast_convert_type3A_774 = tpu.bitcast %slice3A_773 : vector<128x128xf32> -> vector<128x128xi32>
    %and3A_775 = arith.constant -64 : i32
    %and3A_776 = vector.broadcast %and3A_775 : i32 to vector<128x128xi32>
    %and3A_777 = arith.andi %bitcast_convert_type3A_774, %and3A_776 : vector<128x128xi32>
    %or3A_778 = arith.constant 50 : i32
    %or3A_779 = vector.broadcast %or3A_778 : i32 to vector<128x128xi32>
    %or3A_780 = arith.ori %and3A_777, %or3A_779 : vector<128x128xi32>
    %min3A_781 = arith.minsi %min3A_766, %or3A_780 : vector<128x128xi32>
    %max3A_782 = arith.maxsi %min3A_766, %or3A_780 : vector<128x128xi32>
    %min3A_783 = arith.minsi %min3A_768, %max3A_782 : vector<128x128xi32>
    %max3A_784 = arith.maxsi %min3A_768, %max3A_782 : vector<128x128xi32>
    %min3A_785 = arith.minsi %min3A_770, %max3A_784 : vector<128x128xi32>
    %max3A_786 = arith.maxsi %min3A_770, %max3A_784 : vector<128x128xi32>
    %min3A_787 = arith.minsi %min3A_772, %max3A_786 : vector<128x128xi32>
    %slice3A_788 = vector.extract_strided_slice %sub3A {offsets = [0, 6528], sizes = [128, 128], strides = [1, 1]} : vector<128x8192xf32> to vector<128x128xf32>
    %bitcast_convert_type3A_789 = tpu.bitcast %slice3A_788 : vector<128x128xf32> -> vector<128x128xi32>
    %and3A_790 = arith.constant -64 : i32
    %and3A_791 = vector.broadcast %and3A_790 : i32 to vector<128x128xi32>
    %and3A_792 = arith.andi %bitcast_convert_type3A_789, %and3A_791 : vector<128x128xi32>
    %or3A_793 = arith.constant 51 : i32
    %or3A_794 = vector.broadcast %or3A_793 : i32 to vector<128x128xi32>
    %or3A_795 = arith.ori %and3A_792, %or3A_794 : vector<128x128xi32>
    %min3A_796 = arith.minsi %min3A_781, %or3A_795 : vector<128x128xi32>
    %max3A_797 = arith.maxsi %min3A_781, %or3A_795 : vector<128x128xi32>
    %min3A_798 = arith.minsi %min3A_783, %max3A_797 : vector<128x128xi32>
    %max3A_799 = arith.maxsi %min3A_783, %max3A_797 : vector<128x128xi32>
    %min3A_800 = arith.minsi %min3A_785, %max3A_799 : vector<128x128xi32>
    %max3A_801 = arith.maxsi %min3A_785, %max3A_799 : vector<128x128xi32>
    %min3A_802 = arith.minsi %min3A_787, %max3A_801 : vector<128x128xi32>
    %slice3A_803 = vector.extract_strided_slice %sub3A {offsets = [0, 6656], sizes = [128, 128], strides = [1, 1]} : vector<128x8192xf32> to vector<128x128xf32>
    %bitcast_convert_type3A_804 = tpu.bitcast %slice3A_803 : vector<128x128xf32> -> vector<128x128xi32>
    %and3A_805 = arith.constant -64 : i32
    %and3A_806 = vector.broadcast %and3A_805 : i32 to vector<128x128xi32>
    %and3A_807 = arith.andi %bitcast_convert_type3A_804, %and3A_806 : vector<128x128xi32>
    %or3A_808 = arith.constant 52 : i32
    %or3A_809 = vector.broadcast %or3A_808 : i32 to vector<128x128xi32>
    %or3A_810 = arith.ori %and3A_807, %or3A_809 : vector<128x128xi32>
    %min3A_811 = arith.minsi %min3A_796, %or3A_810 : vector<128x128xi32>
    %max3A_812 = arith.maxsi %min3A_796, %or3A_810 : vector<128x128xi32>
    %min3A_813 = arith.minsi %min3A_798, %max3A_812 : vector<128x128xi32>
    %max3A_814 = arith.maxsi %min3A_798, %max3A_812 : vector<128x128xi32>
    %min3A_815 = arith.minsi %min3A_800, %max3A_814 : vector<128x128xi32>
    %max3A_816 = arith.maxsi %min3A_800, %max3A_814 : vector<128x128xi32>
    %min3A_817 = arith.minsi %min3A_802, %max3A_816 : vector<128x128xi32>
    %slice3A_818 = vector.extract_strided_slice %sub3A {offsets = [0, 6784], sizes = [128, 128], strides = [1, 1]} : vector<128x8192xf32> to vector<128x128xf32>
    %bitcast_convert_type3A_819 = tpu.bitcast %slice3A_818 : vector<128x128xf32> -> vector<128x128xi32>
    %and3A_820 = arith.constant -64 : i32
    %and3A_821 = vector.broadcast %and3A_820 : i32 to vector<128x128xi32>
    %and3A_822 = arith.andi %bitcast_convert_type3A_819, %and3A_821 : vector<128x128xi32>
    %or3A_823 = arith.constant 53 : i32
    %or3A_824 = vector.broadcast %or3A_823 : i32 to vector<128x128xi32>
    %or3A_825 = arith.ori %and3A_822, %or3A_824 : vector<128x128xi32>
    %min3A_826 = arith.minsi %min3A_811, %or3A_825 : vector<128x128xi32>
    %max3A_827 = arith.maxsi %min3A_811, %or3A_825 : vector<128x128xi32>
    %min3A_828 = arith.minsi %min3A_813, %max3A_827 : vector<128x128xi32>
    %max3A_829 = arith.maxsi %min3A_813, %max3A_827 : vector<128x128xi32>
    %min3A_830 = arith.minsi %min3A_815, %max3A_829 : vector<128x128xi32>
    %max3A_831 = arith.maxsi %min3A_815, %max3A_829 : vector<128x128xi32>
    %min3A_832 = arith.minsi %min3A_817, %max3A_831 : vector<128x128xi32>
    %slice3A_833 = vector.extract_strided_slice %sub3A {offsets = [0, 6912], sizes = [128, 128], strides = [1, 1]} : vector<128x8192xf32> to vector<128x128xf32>
    %bitcast_convert_type3A_834 = tpu.bitcast %slice3A_833 : vector<128x128xf32> -> vector<128x128xi32>
    %and3A_835 = arith.constant -64 : i32
    %and3A_836 = vector.broadcast %and3A_835 : i32 to vector<128x128xi32>
    %and3A_837 = arith.andi %bitcast_convert_type3A_834, %and3A_836 : vector<128x128xi32>
    %or3A_838 = arith.constant 54 : i32
    %or3A_839 = vector.broadcast %or3A_838 : i32 to vector<128x128xi32>
    %or3A_840 = arith.ori %and3A_837, %or3A_839 : vector<128x128xi32>
    %min3A_841 = arith.minsi %min3A_826, %or3A_840 : vector<128x128xi32>
    %max3A_842 = arith.maxsi %min3A_826, %or3A_840 : vector<128x128xi32>
    %min3A_843 = arith.minsi %min3A_828, %max3A_842 : vector<128x128xi32>
    %max3A_844 = arith.maxsi %min3A_828, %max3A_842 : vector<128x128xi32>
    %min3A_845 = arith.minsi %min3A_830, %max3A_844 : vector<128x128xi32>
    %max3A_846 = arith.maxsi %min3A_830, %max3A_844 : vector<128x128xi32>
    %min3A_847 = arith.minsi %min3A_832, %max3A_846 : vector<128x128xi32>
    %slice3A_848 = vector.extract_strided_slice %sub3A {offsets = [0, 7040], sizes = [128, 128], strides = [1, 1]} : vector<128x8192xf32> to vector<128x128xf32>
    %bitcast_convert_type3A_849 = tpu.bitcast %slice3A_848 : vector<128x128xf32> -> vector<128x128xi32>
    %and3A_850 = arith.constant -64 : i32
    %and3A_851 = vector.broadcast %and3A_850 : i32 to vector<128x128xi32>
    %and3A_852 = arith.andi %bitcast_convert_type3A_849, %and3A_851 : vector<128x128xi32>
    %or3A_853 = arith.constant 55 : i32
    %or3A_854 = vector.broadcast %or3A_853 : i32 to vector<128x128xi32>
    %or3A_855 = arith.ori %and3A_852, %or3A_854 : vector<128x128xi32>
    %min3A_856 = arith.minsi %min3A_841, %or3A_855 : vector<128x128xi32>
    %max3A_857 = arith.maxsi %min3A_841, %or3A_855 : vector<128x128xi32>
    %min3A_858 = arith.minsi %min3A_843, %max3A_857 : vector<128x128xi32>
    %max3A_859 = arith.maxsi %min3A_843, %max3A_857 : vector<128x128xi32>
    %min3A_860 = arith.minsi %min3A_845, %max3A_859 : vector<128x128xi32>
    %max3A_861 = arith.maxsi %min3A_845, %max3A_859 : vector<128x128xi32>
    %min3A_862 = arith.minsi %min3A_847, %max3A_861 : vector<128x128xi32>
    %slice3A_863 = vector.extract_strided_slice %sub3A {offsets = [0, 7168], sizes = [128, 128], strides = [1, 1]} : vector<128x8192xf32> to vector<128x128xf32>
    %bitcast_convert_type3A_864 = tpu.bitcast %slice3A_863 : vector<128x128xf32> -> vector<128x128xi32>
    %and3A_865 = arith.constant -64 : i32
    %and3A_866 = vector.broadcast %and3A_865 : i32 to vector<128x128xi32>
    %and3A_867 = arith.andi %bitcast_convert_type3A_864, %and3A_866 : vector<128x128xi32>
    %or3A_868 = arith.constant 56 : i32
    %or3A_869 = vector.broadcast %or3A_868 : i32 to vector<128x128xi32>
    %or3A_870 = arith.ori %and3A_867, %or3A_869 : vector<128x128xi32>
    %min3A_871 = arith.minsi %min3A_856, %or3A_870 : vector<128x128xi32>
    %max3A_872 = arith.maxsi %min3A_856, %or3A_870 : vector<128x128xi32>
    %min3A_873 = arith.minsi %min3A_858, %max3A_872 : vector<128x128xi32>
    %max3A_874 = arith.maxsi %min3A_858, %max3A_872 : vector<128x128xi32>
    %min3A_875 = arith.minsi %min3A_860, %max3A_874 : vector<128x128xi32>
    %max3A_876 = arith.maxsi %min3A_860, %max3A_874 : vector<128x128xi32>
    %min3A_877 = arith.minsi %min3A_862, %max3A_876 : vector<128x128xi32>
    %slice3A_878 = vector.extract_strided_slice %sub3A {offsets = [0, 7296], sizes = [128, 128], strides = [1, 1]} : vector<128x8192xf32> to vector<128x128xf32>
    %bitcast_convert_type3A_879 = tpu.bitcast %slice3A_878 : vector<128x128xf32> -> vector<128x128xi32>
    %and3A_880 = arith.constant -64 : i32
    %and3A_881 = vector.broadcast %and3A_880 : i32 to vector<128x128xi32>
    %and3A_882 = arith.andi %bitcast_convert_type3A_879, %and3A_881 : vector<128x128xi32>
    %or3A_883 = arith.constant 57 : i32
    %or3A_884 = vector.broadcast %or3A_883 : i32 to vector<128x128xi32>
    %or3A_885 = arith.ori %and3A_882, %or3A_884 : vector<128x128xi32>
    %min3A_886 = arith.minsi %min3A_871, %or3A_885 : vector<128x128xi32>
    %max3A_887 = arith.maxsi %min3A_871, %or3A_885 : vector<128x128xi32>
    %min3A_888 = arith.minsi %min3A_873, %max3A_887 : vector<128x128xi32>
    %max3A_889 = arith.maxsi %min3A_873, %max3A_887 : vector<128x128xi32>
    %min3A_890 = arith.minsi %min3A_875, %max3A_889 : vector<128x128xi32>
    %max3A_891 = arith.maxsi %min3A_875, %max3A_889 : vector<128x128xi32>
    %min3A_892 = arith.minsi %min3A_877, %max3A_891 : vector<128x128xi32>
    %slice3A_893 = vector.extract_strided_slice %sub3A {offsets = [0, 7424], sizes = [128, 128], strides = [1, 1]} : vector<128x8192xf32> to vector<128x128xf32>
    %bitcast_convert_type3A_894 = tpu.bitcast %slice3A_893 : vector<128x128xf32> -> vector<128x128xi32>
    %and3A_895 = arith.constant -64 : i32
    %and3A_896 = vector.broadcast %and3A_895 : i32 to vector<128x128xi32>
    %and3A_897 = arith.andi %bitcast_convert_type3A_894, %and3A_896 : vector<128x128xi32>
    %or3A_898 = arith.constant 58 : i32
    %or3A_899 = vector.broadcast %or3A_898 : i32 to vector<128x128xi32>
    %or3A_900 = arith.ori %and3A_897, %or3A_899 : vector<128x128xi32>
    %min3A_901 = arith.minsi %min3A_886, %or3A_900 : vector<128x128xi32>
    %max3A_902 = arith.maxsi %min3A_886, %or3A_900 : vector<128x128xi32>
    %min3A_903 = arith.minsi %min3A_888, %max3A_902 : vector<128x128xi32>
    %max3A_904 = arith.maxsi %min3A_888, %max3A_902 : vector<128x128xi32>
    %min3A_905 = arith.minsi %min3A_890, %max3A_904 : vector<128x128xi32>
    %max3A_906 = arith.maxsi %min3A_890, %max3A_904 : vector<128x128xi32>
    %min3A_907 = arith.minsi %min3A_892, %max3A_906 : vector<128x128xi32>
    %slice3A_908 = vector.extract_strided_slice %sub3A {offsets = [0, 7552], sizes = [128, 128], strides = [1, 1]} : vector<128x8192xf32> to vector<128x128xf32>
    %bitcast_convert_type3A_909 = tpu.bitcast %slice3A_908 : vector<128x128xf32> -> vector<128x128xi32>
    %and3A_910 = arith.constant -64 : i32
    %and3A_911 = vector.broadcast %and3A_910 : i32 to vector<128x128xi32>
    %and3A_912 = arith.andi %bitcast_convert_type3A_909, %and3A_911 : vector<128x128xi32>
    %or3A_913 = arith.constant 59 : i32
    %or3A_914 = vector.broadcast %or3A_913 : i32 to vector<128x128xi32>
    %or3A_915 = arith.ori %and3A_912, %or3A_914 : vector<128x128xi32>
    %min3A_916 = arith.minsi %min3A_901, %or3A_915 : vector<128x128xi32>
    %max3A_917 = arith.maxsi %min3A_901, %or3A_915 : vector<128x128xi32>
    %min3A_918 = arith.minsi %min3A_903, %max3A_917 : vector<128x128xi32>
    %max3A_919 = arith.maxsi %min3A_903, %max3A_917 : vector<128x128xi32>
    %min3A_920 = arith.minsi %min3A_905, %max3A_919 : vector<128x128xi32>
    %max3A_921 = arith.maxsi %min3A_905, %max3A_919 : vector<128x128xi32>
    %min3A_922 = arith.minsi %min3A_907, %max3A_921 : vector<128x128xi32>
    %slice3A_923 = vector.extract_strided_slice %sub3A {offsets = [0, 7680], sizes = [128, 128], strides = [1, 1]} : vector<128x8192xf32> to vector<128x128xf32>
    %bitcast_convert_type3A_924 = tpu.bitcast %slice3A_923 : vector<128x128xf32> -> vector<128x128xi32>
    %and3A_925 = arith.constant -64 : i32
    %and3A_926 = vector.broadcast %and3A_925 : i32 to vector<128x128xi32>
    %and3A_927 = arith.andi %bitcast_convert_type3A_924, %and3A_926 : vector<128x128xi32>
    %or3A_928 = arith.constant 60 : i32
    %or3A_929 = vector.broadcast %or3A_928 : i32 to vector<128x128xi32>
    %or3A_930 = arith.ori %and3A_927, %or3A_929 : vector<128x128xi32>
    %min3A_931 = arith.minsi %min3A_916, %or3A_930 : vector<128x128xi32>
    %max3A_932 = arith.maxsi %min3A_916, %or3A_930 : vector<128x128xi32>
    %min3A_933 = arith.minsi %min3A_918, %max3A_932 : vector<128x128xi32>
    %max3A_934 = arith.maxsi %min3A_918, %max3A_932 : vector<128x128xi32>
    %min3A_935 = arith.minsi %min3A_920, %max3A_934 : vector<128x128xi32>
    %max3A_936 = arith.maxsi %min3A_920, %max3A_934 : vector<128x128xi32>
    %min3A_937 = arith.minsi %min3A_922, %max3A_936 : vector<128x128xi32>
    %slice3A_938 = vector.extract_strided_slice %sub3A {offsets = [0, 7808], sizes = [128, 128], strides = [1, 1]} : vector<128x8192xf32> to vector<128x128xf32>
    %bitcast_convert_type3A_939 = tpu.bitcast %slice3A_938 : vector<128x128xf32> -> vector<128x128xi32>
    %and3A_940 = arith.constant -64 : i32
    %and3A_941 = vector.broadcast %and3A_940 : i32 to vector<128x128xi32>
    %and3A_942 = arith.andi %bitcast_convert_type3A_939, %and3A_941 : vector<128x128xi32>
    %or3A_943 = arith.constant 61 : i32
    %or3A_944 = vector.broadcast %or3A_943 : i32 to vector<128x128xi32>
    %or3A_945 = arith.ori %and3A_942, %or3A_944 : vector<128x128xi32>
    %min3A_946 = arith.minsi %min3A_931, %or3A_945 : vector<128x128xi32>
    %max3A_947 = arith.maxsi %min3A_931, %or3A_945 : vector<128x128xi32>
    %min3A_948 = arith.minsi %min3A_933, %max3A_947 : vector<128x128xi32>
    %max3A_949 = arith.maxsi %min3A_933, %max3A_947 : vector<128x128xi32>
    %min3A_950 = arith.minsi %min3A_935, %max3A_949 : vector<128x128xi32>
    %max3A_951 = arith.maxsi %min3A_935, %max3A_949 : vector<128x128xi32>
    %min3A_952 = arith.minsi %min3A_937, %max3A_951 : vector<128x128xi32>
    %slice3A_953 = vector.extract_strided_slice %sub3A {offsets = [0, 7936], sizes = [128, 128], strides = [1, 1]} : vector<128x8192xf32> to vector<128x128xf32>
    %bitcast_convert_type3A_954 = tpu.bitcast %slice3A_953 : vector<128x128xf32> -> vector<128x128xi32>
    %and3A_955 = arith.constant -64 : i32
    %and3A_956 = vector.broadcast %and3A_955 : i32 to vector<128x128xi32>
    %and3A_957 = arith.andi %bitcast_convert_type3A_954, %and3A_956 : vector<128x128xi32>
    %or3A_958 = arith.constant 62 : i32
    %or3A_959 = vector.broadcast %or3A_958 : i32 to vector<128x128xi32>
    %or3A_960 = arith.ori %and3A_957, %or3A_959 : vector<128x128xi32>
    %min3A_961 = arith.minsi %min3A_946, %or3A_960 : vector<128x128xi32>
    %max3A_962 = arith.maxsi %min3A_946, %or3A_960 : vector<128x128xi32>
    %min3A_963 = arith.minsi %min3A_948, %max3A_962 : vector<128x128xi32>
    %max3A_964 = arith.maxsi %min3A_948, %max3A_962 : vector<128x128xi32>
    %min3A_965 = arith.minsi %min3A_950, %max3A_964 : vector<128x128xi32>
    %max3A_966 = arith.maxsi %min3A_950, %max3A_964 : vector<128x128xi32>
    %min3A_967 = arith.minsi %min3A_952, %max3A_966 : vector<128x128xi32>
    %slice3A_968 = vector.extract_strided_slice %sub3A {offsets = [0, 8064], sizes = [128, 128], strides = [1, 1]} : vector<128x8192xf32> to vector<128x128xf32>
    %bitcast_convert_type3A_969 = tpu.bitcast %slice3A_968 : vector<128x128xf32> -> vector<128x128xi32>
    %and3A_970 = arith.constant -64 : i32
    %and3A_971 = vector.broadcast %and3A_970 : i32 to vector<128x128xi32>
    %and3A_972 = arith.andi %bitcast_convert_type3A_969, %and3A_971 : vector<128x128xi32>
    %or3A_973 = arith.constant 63 : i32
    %or3A_974 = vector.broadcast %or3A_973 : i32 to vector<128x128xi32>
    %or3A_975 = arith.ori %and3A_972, %or3A_974 : vector<128x128xi32>
    %min3A_976 = arith.minsi %min3A_961, %or3A_975 : vector<128x128xi32>
    %max3A_977 = arith.maxsi %min3A_961, %or3A_975 : vector<128x128xi32>
    %min3A_978 = arith.minsi %min3A_963, %max3A_977 : vector<128x128xi32>
    %max3A_979 = arith.maxsi %min3A_963, %max3A_977 : vector<128x128xi32>
    %min3A_980 = arith.minsi %min3A_965, %max3A_979 : vector<128x128xi32>
    %max3A_981 = arith.maxsi %min3A_965, %max3A_979 : vector<128x128xi32>
    %min3A_982 = arith.minsi %min3A_967, %max3A_981 : vector<128x128xi32>
    %iota3A = tpu.iota {dimensions = array<i32: 1>} : vector<128x128xi32>
    %iota3A_983 = tpu.iota {dimensions = array<i32: 1>} : vector<128x16xi32>
    %broadcast_in_dim3A_984 = arith.constant 0 : i32
    %broadcast_in_dim3A_985 = vector.broadcast %broadcast_in_dim3A_984 : i32 to vector<128x16xi32>
    %broadcast_in_dim3A_986 = arith.constant -2147483648 : i32
    %broadcast_in_dim3A_987 = vector.broadcast %broadcast_in_dim3A_986 : i32 to vector<128x1xi32>
    %gt3A = vector.broadcast %broadcast_in_dim3A_987 : vector<128x1xi32> to vector<128x128xi32>
    %gt3A_988 = arith.cmpi sgt, %min3A_976, %gt3A : vector<128x128xi32>
    %jit3A = arith.constant 2147483647 : i32
    %broadcast_in_dim3A_989 = vector.broadcast %jit3A : i32 to vector<128x128xi32>
    %select_n3A = arith.select %gt3A_988, %min3A_976, %broadcast_in_dim3A_989 : vector<128x128xi1>, vector<128x128xi32>
    %gt3A_990 = vector.broadcast %broadcast_in_dim3A_987 : vector<128x1xi32> to vector<128x128xi32>
    %gt3A_991 = arith.cmpi sgt, %min3A_978, %gt3A_990 : vector<128x128xi32>
    %jit3A_992 = arith.constant 2147483647 : i32
    %broadcast_in_dim3A_993 = vector.broadcast %jit3A_992 : i32 to vector<128x128xi32>
    %select_n3A_994 = arith.select %gt3A_991, %min3A_978, %broadcast_in_dim3A_993 : vector<128x128xi1>, vector<128x128xi32>
    %gt3A_995 = vector.broadcast %broadcast_in_dim3A_987 : vector<128x1xi32> to vector<128x128xi32>
    %gt3A_996 = arith.cmpi sgt, %min3A_980, %gt3A_995 : vector<128x128xi32>
    %jit3A_997 = arith.constant 2147483647 : i32
    %broadcast_in_dim3A_998 = vector.broadcast %jit3A_997 : i32 to vector<128x128xi32>
    %select_n3A_999 = arith.select %gt3A_996, %min3A_980, %broadcast_in_dim3A_998 : vector<128x128xi1>, vector<128x128xi32>
    %gt3A_1000 = vector.broadcast %broadcast_in_dim3A_987 : vector<128x1xi32> to vector<128x128xi32>
    %gt3A_1001 = arith.cmpi sgt, %min3A_982, %gt3A_1000 : vector<128x128xi32>
    %jit3A_1002 = arith.constant 2147483647 : i32
    %broadcast_in_dim3A_1003 = vector.broadcast %jit3A_1002 : i32 to vector<128x128xi32>
    %select_n3A_1004 = arith.select %gt3A_1001, %min3A_982, %broadcast_in_dim3A_1003 : vector<128x128xi1>, vector<128x128xi32>
    %min3A_1005 = arith.minsi %select_n3A, %select_n3A_994 : vector<128x128xi32>
    %min3A_1006 = arith.minsi %select_n3A_999, %select_n3A_1004 : vector<128x128xi32>
    %min3A_1007 = arith.minsi %min3A_1005, %min3A_1006 : vector<128x128xi32>
    %reduce_min3A = arith.constant dense<2147483647> : vector<128xi32>
    %reduce_min3A_1008 = vector.multi_reduction <minsi>, %min3A_1007, %reduce_min3A [1] : vector<128x128xi32> to vector<128xi32>
    %broadcast_in_dim3A_1009 = vector.shape_cast %reduce_min3A_1008 : vector<128xi32> to vector<128x1xi32>
    %eq3A = vector.broadcast %broadcast_in_dim3A_1009 : vector<128x1xi32> to vector<128x128xi32>
    %eq3A_1010 = arith.cmpi eq, %min3A_1007, %eq3A : vector<128x128xi32>
    %jit3A_1011 = arith.constant 8192 : i32
    %broadcast_in_dim3A_1012 = vector.broadcast %jit3A_1011 : i32 to vector<128x128xi32>
    %select_n3A_1013 = arith.select %eq3A_1010, %iota3A, %broadcast_in_dim3A_1012 : vector<128x128xi1>, vector<128x128xi32>
    %reduce_min3A_1014 = arith.constant dense<2147483647> : vector<128xi32>
    %reduce_min3A_1015 = vector.multi_reduction <minsi>, %select_n3A_1013, %reduce_min3A_1014 [1] : vector<128x128xi32> to vector<128xi32>
    %broadcast_in_dim3A_1016 = vector.shape_cast %reduce_min3A_1015 : vector<128xi32> to vector<128x1xi32>
    %eq3A_1017 = arith.constant 0 : i32
    %eq3A_1018 = vector.broadcast %eq3A_1017 : i32 to vector<128x16xi32>
    %eq3A_1019 = arith.cmpi eq, %iota3A_983, %eq3A_1018 : vector<128x16xi32>
    %and3A_1020 = arith.constant 63 : i32
    %and3A_1021 = vector.broadcast %and3A_1020 : i32 to vector<128x1xi32>
    %and3A_1022 = arith.andi %broadcast_in_dim3A_1009, %and3A_1021 : vector<128x1xi32>
    %mul3A_1023 = arith.constant 128 : i32
    %mul3A_1024 = vector.broadcast %mul3A_1023 : i32 to vector<128x1xi32>
    %mul3A_1025 = arith.muli %and3A_1022, %mul3A_1024 : vector<128x1xi32>
    %add3A_1026 = arith.addi %mul3A_1025, %broadcast_in_dim3A_1016 : vector<128x1xi32>
    %broadcast_in_dim3A_1027 = vector.shape_cast %add3A_1026 : vector<128x1xi32> to vector<128x1xi32>
    %broadcast_in_dim3A_1028 = vector.broadcast %broadcast_in_dim3A_1027 : vector<128x1xi32> to vector<128x16xi32>
    %select_n3A_1029 = arith.select %eq3A_1019, %broadcast_in_dim3A_1028, %broadcast_in_dim3A_985 : vector<128x16xi1>, vector<128x16xi32>
    %gt3A_1030 = vector.broadcast %broadcast_in_dim3A_1009 : vector<128x1xi32> to vector<128x128xi32>
    %gt3A_1031 = arith.cmpi sgt, %min3A_976, %gt3A_1030 : vector<128x128xi32>
    %jit3A_1032 = arith.constant 2147483647 : i32
    %broadcast_in_dim3A_1033 = vector.broadcast %jit3A_1032 : i32 to vector<128x128xi32>
    %select_n3A_1034 = arith.select %gt3A_1031, %min3A_976, %broadcast_in_dim3A_1033 : vector<128x128xi1>, vector<128x128xi32>
    %gt3A_1035 = vector.broadcast %broadcast_in_dim3A_1009 : vector<128x1xi32> to vector<128x128xi32>
    %gt3A_1036 = arith.cmpi sgt, %min3A_978, %gt3A_1035 : vector<128x128xi32>
    %jit3A_1037 = arith.constant 2147483647 : i32
    %broadcast_in_dim3A_1038 = vector.broadcast %jit3A_1037 : i32 to vector<128x128xi32>
    %select_n3A_1039 = arith.select %gt3A_1036, %min3A_978, %broadcast_in_dim3A_1038 : vector<128x128xi1>, vector<128x128xi32>
    %gt3A_1040 = vector.broadcast %broadcast_in_dim3A_1009 : vector<128x1xi32> to vector<128x128xi32>
    %gt3A_1041 = arith.cmpi sgt, %min3A_980, %gt3A_1040 : vector<128x128xi32>
    %jit3A_1042 = arith.constant 2147483647 : i32
    %broadcast_in_dim3A_1043 = vector.broadcast %jit3A_1042 : i32 to vector<128x128xi32>
    %select_n3A_1044 = arith.select %gt3A_1041, %min3A_980, %broadcast_in_dim3A_1043 : vector<128x128xi1>, vector<128x128xi32>
    %gt3A_1045 = vector.broadcast %broadcast_in_dim3A_1009 : vector<128x1xi32> to vector<128x128xi32>
    %gt3A_1046 = arith.cmpi sgt, %min3A_982, %gt3A_1045 : vector<128x128xi32>
    %jit3A_1047 = arith.constant 2147483647 : i32
    %broadcast_in_dim3A_1048 = vector.broadcast %jit3A_1047 : i32 to vector<128x128xi32>
    %select_n3A_1049 = arith.select %gt3A_1046, %min3A_982, %broadcast_in_dim3A_1048 : vector<128x128xi1>, vector<128x128xi32>
    %min3A_1050 = arith.minsi %select_n3A_1034, %select_n3A_1039 : vector<128x128xi32>
    %min3A_1051 = arith.minsi %select_n3A_1044, %select_n3A_1049 : vector<128x128xi32>
    %min3A_1052 = arith.minsi %min3A_1050, %min3A_1051 : vector<128x128xi32>
    %reduce_min3A_1053 = arith.constant dense<2147483647> : vector<128xi32>
    %reduce_min3A_1054 = vector.multi_reduction <minsi>, %min3A_1052, %reduce_min3A_1053 [1] : vector<128x128xi32> to vector<128xi32>
    %broadcast_in_dim3A_1055 = vector.shape_cast %reduce_min3A_1054 : vector<128xi32> to vector<128x1xi32>
    %eq3A_1056 = vector.broadcast %broadcast_in_dim3A_1055 : vector<128x1xi32> to vector<128x128xi32>
    %eq3A_1057 = arith.cmpi eq, %min3A_1052, %eq3A_1056 : vector<128x128xi32>
    %jit3A_1058 = arith.constant 8192 : i32
    %broadcast_in_dim3A_1059 = vector.broadcast %jit3A_1058 : i32 to vector<128x128xi32>
    %select_n3A_1060 = arith.select %eq3A_1057, %iota3A, %broadcast_in_dim3A_1059 : vector<128x128xi1>, vector<128x128xi32>
    %reduce_min3A_1061 = arith.constant dense<2147483647> : vector<128xi32>
    %reduce_min3A_1062 = vector.multi_reduction <minsi>, %select_n3A_1060, %reduce_min3A_1061 [1] : vector<128x128xi32> to vector<128xi32>
    %broadcast_in_dim3A_1063 = vector.shape_cast %reduce_min3A_1062 : vector<128xi32> to vector<128x1xi32>
    %eq3A_1064 = arith.constant 1 : i32
    %eq3A_1065 = vector.broadcast %eq3A_1064 : i32 to vector<128x16xi32>
    %eq3A_1066 = arith.cmpi eq, %iota3A_983, %eq3A_1065 : vector<128x16xi32>
    %and3A_1067 = arith.constant 63 : i32
    %and3A_1068 = vector.broadcast %and3A_1067 : i32 to vector<128x1xi32>
    %and3A_1069 = arith.andi %broadcast_in_dim3A_1055, %and3A_1068 : vector<128x1xi32>
    %mul3A_1070 = arith.constant 128 : i32
    %mul3A_1071 = vector.broadcast %mul3A_1070 : i32 to vector<128x1xi32>
    %mul3A_1072 = arith.muli %and3A_1069, %mul3A_1071 : vector<128x1xi32>
    %add3A_1073 = arith.addi %mul3A_1072, %broadcast_in_dim3A_1063 : vector<128x1xi32>
    %broadcast_in_dim3A_1074 = vector.shape_cast %add3A_1073 : vector<128x1xi32> to vector<128x1xi32>
    %broadcast_in_dim3A_1075 = vector.broadcast %broadcast_in_dim3A_1074 : vector<128x1xi32> to vector<128x16xi32>
    %select_n3A_1076 = arith.select %eq3A_1066, %broadcast_in_dim3A_1075, %select_n3A_1029 : vector<128x16xi1>, vector<128x16xi32>
    %gt3A_1077 = vector.broadcast %broadcast_in_dim3A_1055 : vector<128x1xi32> to vector<128x128xi32>
    %gt3A_1078 = arith.cmpi sgt, %min3A_976, %gt3A_1077 : vector<128x128xi32>
    %jit3A_1079 = arith.constant 2147483647 : i32
    %broadcast_in_dim3A_1080 = vector.broadcast %jit3A_1079 : i32 to vector<128x128xi32>
    %select_n3A_1081 = arith.select %gt3A_1078, %min3A_976, %broadcast_in_dim3A_1080 : vector<128x128xi1>, vector<128x128xi32>
    %gt3A_1082 = vector.broadcast %broadcast_in_dim3A_1055 : vector<128x1xi32> to vector<128x128xi32>
    %gt3A_1083 = arith.cmpi sgt, %min3A_978, %gt3A_1082 : vector<128x128xi32>
    %jit3A_1084 = arith.constant 2147483647 : i32
    %broadcast_in_dim3A_1085 = vector.broadcast %jit3A_1084 : i32 to vector<128x128xi32>
    %select_n3A_1086 = arith.select %gt3A_1083, %min3A_978, %broadcast_in_dim3A_1085 : vector<128x128xi1>, vector<128x128xi32>
    %gt3A_1087 = vector.broadcast %broadcast_in_dim3A_1055 : vector<128x1xi32> to vector<128x128xi32>
    %gt3A_1088 = arith.cmpi sgt, %min3A_980, %gt3A_1087 : vector<128x128xi32>
    %jit3A_1089 = arith.constant 2147483647 : i32
    %broadcast_in_dim3A_1090 = vector.broadcast %jit3A_1089 : i32 to vector<128x128xi32>
    %select_n3A_1091 = arith.select %gt3A_1088, %min3A_980, %broadcast_in_dim3A_1090 : vector<128x128xi1>, vector<128x128xi32>
    %gt3A_1092 = vector.broadcast %broadcast_in_dim3A_1055 : vector<128x1xi32> to vector<128x128xi32>
    %gt3A_1093 = arith.cmpi sgt, %min3A_982, %gt3A_1092 : vector<128x128xi32>
    %jit3A_1094 = arith.constant 2147483647 : i32
    %broadcast_in_dim3A_1095 = vector.broadcast %jit3A_1094 : i32 to vector<128x128xi32>
    %select_n3A_1096 = arith.select %gt3A_1093, %min3A_982, %broadcast_in_dim3A_1095 : vector<128x128xi1>, vector<128x128xi32>
    %min3A_1097 = arith.minsi %select_n3A_1081, %select_n3A_1086 : vector<128x128xi32>
    %min3A_1098 = arith.minsi %select_n3A_1091, %select_n3A_1096 : vector<128x128xi32>
    %min3A_1099 = arith.minsi %min3A_1097, %min3A_1098 : vector<128x128xi32>
    %reduce_min3A_1100 = arith.constant dense<2147483647> : vector<128xi32>
    %reduce_min3A_1101 = vector.multi_reduction <minsi>, %min3A_1099, %reduce_min3A_1100 [1] : vector<128x128xi32> to vector<128xi32>
    %broadcast_in_dim3A_1102 = vector.shape_cast %reduce_min3A_1101 : vector<128xi32> to vector<128x1xi32>
    %eq3A_1103 = vector.broadcast %broadcast_in_dim3A_1102 : vector<128x1xi32> to vector<128x128xi32>
    %eq3A_1104 = arith.cmpi eq, %min3A_1099, %eq3A_1103 : vector<128x128xi32>
    %jit3A_1105 = arith.constant 8192 : i32
    %broadcast_in_dim3A_1106 = vector.broadcast %jit3A_1105 : i32 to vector<128x128xi32>
    %select_n3A_1107 = arith.select %eq3A_1104, %iota3A, %broadcast_in_dim3A_1106 : vector<128x128xi1>, vector<128x128xi32>
    %reduce_min3A_1108 = arith.constant dense<2147483647> : vector<128xi32>
    %reduce_min3A_1109 = vector.multi_reduction <minsi>, %select_n3A_1107, %reduce_min3A_1108 [1] : vector<128x128xi32> to vector<128xi32>
    %broadcast_in_dim3A_1110 = vector.shape_cast %reduce_min3A_1109 : vector<128xi32> to vector<128x1xi32>
    %eq3A_1111 = arith.constant 2 : i32
    %eq3A_1112 = vector.broadcast %eq3A_1111 : i32 to vector<128x16xi32>
    %eq3A_1113 = arith.cmpi eq, %iota3A_983, %eq3A_1112 : vector<128x16xi32>
    %and3A_1114 = arith.constant 63 : i32
    %and3A_1115 = vector.broadcast %and3A_1114 : i32 to vector<128x1xi32>
    %and3A_1116 = arith.andi %broadcast_in_dim3A_1102, %and3A_1115 : vector<128x1xi32>
    %mul3A_1117 = arith.constant 128 : i32
    %mul3A_1118 = vector.broadcast %mul3A_1117 : i32 to vector<128x1xi32>
    %mul3A_1119 = arith.muli %and3A_1116, %mul3A_1118 : vector<128x1xi32>
    %add3A_1120 = arith.addi %mul3A_1119, %broadcast_in_dim3A_1110 : vector<128x1xi32>
    %broadcast_in_dim3A_1121 = vector.shape_cast %add3A_1120 : vector<128x1xi32> to vector<128x1xi32>
    %broadcast_in_dim3A_1122 = vector.broadcast %broadcast_in_dim3A_1121 : vector<128x1xi32> to vector<128x16xi32>
    %select_n3A_1123 = arith.select %eq3A_1113, %broadcast_in_dim3A_1122, %select_n3A_1076 : vector<128x16xi1>, vector<128x16xi32>
    %gt3A_1124 = vector.broadcast %broadcast_in_dim3A_1102 : vector<128x1xi32> to vector<128x128xi32>
    %gt3A_1125 = arith.cmpi sgt, %min3A_976, %gt3A_1124 : vector<128x128xi32>
    %jit3A_1126 = arith.constant 2147483647 : i32
    %broadcast_in_dim3A_1127 = vector.broadcast %jit3A_1126 : i32 to vector<128x128xi32>
    %select_n3A_1128 = arith.select %gt3A_1125, %min3A_976, %broadcast_in_dim3A_1127 : vector<128x128xi1>, vector<128x128xi32>
    %gt3A_1129 = vector.broadcast %broadcast_in_dim3A_1102 : vector<128x1xi32> to vector<128x128xi32>
    %gt3A_1130 = arith.cmpi sgt, %min3A_978, %gt3A_1129 : vector<128x128xi32>
    %jit3A_1131 = arith.constant 2147483647 : i32
    %broadcast_in_dim3A_1132 = vector.broadcast %jit3A_1131 : i32 to vector<128x128xi32>
    %select_n3A_1133 = arith.select %gt3A_1130, %min3A_978, %broadcast_in_dim3A_1132 : vector<128x128xi1>, vector<128x128xi32>
    %gt3A_1134 = vector.broadcast %broadcast_in_dim3A_1102 : vector<128x1xi32> to vector<128x128xi32>
    %gt3A_1135 = arith.cmpi sgt, %min3A_980, %gt3A_1134 : vector<128x128xi32>
    %jit3A_1136 = arith.constant 2147483647 : i32
    %broadcast_in_dim3A_1137 = vector.broadcast %jit3A_1136 : i32 to vector<128x128xi32>
    %select_n3A_1138 = arith.select %gt3A_1135, %min3A_980, %broadcast_in_dim3A_1137 : vector<128x128xi1>, vector<128x128xi32>
    %gt3A_1139 = vector.broadcast %broadcast_in_dim3A_1102 : vector<128x1xi32> to vector<128x128xi32>
    %gt3A_1140 = arith.cmpi sgt, %min3A_982, %gt3A_1139 : vector<128x128xi32>
    %jit3A_1141 = arith.constant 2147483647 : i32
    %broadcast_in_dim3A_1142 = vector.broadcast %jit3A_1141 : i32 to vector<128x128xi32>
    %select_n3A_1143 = arith.select %gt3A_1140, %min3A_982, %broadcast_in_dim3A_1142 : vector<128x128xi1>, vector<128x128xi32>
    %min3A_1144 = arith.minsi %select_n3A_1128, %select_n3A_1133 : vector<128x128xi32>
    %min3A_1145 = arith.minsi %select_n3A_1138, %select_n3A_1143 : vector<128x128xi32>
    %min3A_1146 = arith.minsi %min3A_1144, %min3A_1145 : vector<128x128xi32>
    %reduce_min3A_1147 = arith.constant dense<2147483647> : vector<128xi32>
    %reduce_min3A_1148 = vector.multi_reduction <minsi>, %min3A_1146, %reduce_min3A_1147 [1] : vector<128x128xi32> to vector<128xi32>
    %broadcast_in_dim3A_1149 = vector.shape_cast %reduce_min3A_1148 : vector<128xi32> to vector<128x1xi32>
    %eq3A_1150 = vector.broadcast %broadcast_in_dim3A_1149 : vector<128x1xi32> to vector<128x128xi32>
    %eq3A_1151 = arith.cmpi eq, %min3A_1146, %eq3A_1150 : vector<128x128xi32>
    %jit3A_1152 = arith.constant 8192 : i32
    %broadcast_in_dim3A_1153 = vector.broadcast %jit3A_1152 : i32 to vector<128x128xi32>
    %select_n3A_1154 = arith.select %eq3A_1151, %iota3A, %broadcast_in_dim3A_1153 : vector<128x128xi1>, vector<128x128xi32>
    %reduce_min3A_1155 = arith.constant dense<2147483647> : vector<128xi32>
    %reduce_min3A_1156 = vector.multi_reduction <minsi>, %select_n3A_1154, %reduce_min3A_1155 [1] : vector<128x128xi32> to vector<128xi32>
    %broadcast_in_dim3A_1157 = vector.shape_cast %reduce_min3A_1156 : vector<128xi32> to vector<128x1xi32>
    %eq3A_1158 = arith.constant 3 : i32
    %eq3A_1159 = vector.broadcast %eq3A_1158 : i32 to vector<128x16xi32>
    %eq3A_1160 = arith.cmpi eq, %iota3A_983, %eq3A_1159 : vector<128x16xi32>
    %and3A_1161 = arith.constant 63 : i32
    %and3A_1162 = vector.broadcast %and3A_1161 : i32 to vector<128x1xi32>
    %and3A_1163 = arith.andi %broadcast_in_dim3A_1149, %and3A_1162 : vector<128x1xi32>
    %mul3A_1164 = arith.constant 128 : i32
    %mul3A_1165 = vector.broadcast %mul3A_1164 : i32 to vector<128x1xi32>
    %mul3A_1166 = arith.muli %and3A_1163, %mul3A_1165 : vector<128x1xi32>
    %add3A_1167 = arith.addi %mul3A_1166, %broadcast_in_dim3A_1157 : vector<128x1xi32>
    %broadcast_in_dim3A_1168 = vector.shape_cast %add3A_1167 : vector<128x1xi32> to vector<128x1xi32>
    %broadcast_in_dim3A_1169 = vector.broadcast %broadcast_in_dim3A_1168 : vector<128x1xi32> to vector<128x16xi32>
    %select_n3A_1170 = arith.select %eq3A_1160, %broadcast_in_dim3A_1169, %select_n3A_1123 : vector<128x16xi1>, vector<128x16xi32>
    %gt3A_1171 = vector.broadcast %broadcast_in_dim3A_1149 : vector<128x1xi32> to vector<128x128xi32>
    %gt3A_1172 = arith.cmpi sgt, %min3A_976, %gt3A_1171 : vector<128x128xi32>
    %jit3A_1173 = arith.constant 2147483647 : i32
    %broadcast_in_dim3A_1174 = vector.broadcast %jit3A_1173 : i32 to vector<128x128xi32>
    %select_n3A_1175 = arith.select %gt3A_1172, %min3A_976, %broadcast_in_dim3A_1174 : vector<128x128xi1>, vector<128x128xi32>
    %gt3A_1176 = vector.broadcast %broadcast_in_dim3A_1149 : vector<128x1xi32> to vector<128x128xi32>
    %gt3A_1177 = arith.cmpi sgt, %min3A_978, %gt3A_1176 : vector<128x128xi32>
    %jit3A_1178 = arith.constant 2147483647 : i32
    %broadcast_in_dim3A_1179 = vector.broadcast %jit3A_1178 : i32 to vector<128x128xi32>
    %select_n3A_1180 = arith.select %gt3A_1177, %min3A_978, %broadcast_in_dim3A_1179 : vector<128x128xi1>, vector<128x128xi32>
    %gt3A_1181 = vector.broadcast %broadcast_in_dim3A_1149 : vector<128x1xi32> to vector<128x128xi32>
    %gt3A_1182 = arith.cmpi sgt, %min3A_980, %gt3A_1181 : vector<128x128xi32>
    %jit3A_1183 = arith.constant 2147483647 : i32
    %broadcast_in_dim3A_1184 = vector.broadcast %jit3A_1183 : i32 to vector<128x128xi32>
    %select_n3A_1185 = arith.select %gt3A_1182, %min3A_980, %broadcast_in_dim3A_1184 : vector<128x128xi1>, vector<128x128xi32>
    %gt3A_1186 = vector.broadcast %broadcast_in_dim3A_1149 : vector<128x1xi32> to vector<128x128xi32>
    %gt3A_1187 = arith.cmpi sgt, %min3A_982, %gt3A_1186 : vector<128x128xi32>
    %jit3A_1188 = arith.constant 2147483647 : i32
    %broadcast_in_dim3A_1189 = vector.broadcast %jit3A_1188 : i32 to vector<128x128xi32>
    %select_n3A_1190 = arith.select %gt3A_1187, %min3A_982, %broadcast_in_dim3A_1189 : vector<128x128xi1>, vector<128x128xi32>
    %min3A_1191 = arith.minsi %select_n3A_1175, %select_n3A_1180 : vector<128x128xi32>
    %min3A_1192 = arith.minsi %select_n3A_1185, %select_n3A_1190 : vector<128x128xi32>
    %min3A_1193 = arith.minsi %min3A_1191, %min3A_1192 : vector<128x128xi32>
    %reduce_min3A_1194 = arith.constant dense<2147483647> : vector<128xi32>
    %reduce_min3A_1195 = vector.multi_reduction <minsi>, %min3A_1193, %reduce_min3A_1194 [1] : vector<128x128xi32> to vector<128xi32>
    %broadcast_in_dim3A_1196 = vector.shape_cast %reduce_min3A_1195 : vector<128xi32> to vector<128x1xi32>
    %eq3A_1197 = vector.broadcast %broadcast_in_dim3A_1196 : vector<128x1xi32> to vector<128x128xi32>
    %eq3A_1198 = arith.cmpi eq, %min3A_1193, %eq3A_1197 : vector<128x128xi32>
    %jit3A_1199 = arith.constant 8192 : i32
    %broadcast_in_dim3A_1200 = vector.broadcast %jit3A_1199 : i32 to vector<128x128xi32>
    %select_n3A_1201 = arith.select %eq3A_1198, %iota3A, %broadcast_in_dim3A_1200 : vector<128x128xi1>, vector<128x128xi32>
    %reduce_min3A_1202 = arith.constant dense<2147483647> : vector<128xi32>
    %reduce_min3A_1203 = vector.multi_reduction <minsi>, %select_n3A_1201, %reduce_min3A_1202 [1] : vector<128x128xi32> to vector<128xi32>
    %broadcast_in_dim3A_1204 = vector.shape_cast %reduce_min3A_1203 : vector<128xi32> to vector<128x1xi32>
    %eq3A_1205 = arith.constant 4 : i32
    %eq3A_1206 = vector.broadcast %eq3A_1205 : i32 to vector<128x16xi32>
    %eq3A_1207 = arith.cmpi eq, %iota3A_983, %eq3A_1206 : vector<128x16xi32>
    %and3A_1208 = arith.constant 63 : i32
    %and3A_1209 = vector.broadcast %and3A_1208 : i32 to vector<128x1xi32>
    %and3A_1210 = arith.andi %broadcast_in_dim3A_1196, %and3A_1209 : vector<128x1xi32>
    %mul3A_1211 = arith.constant 128 : i32
    %mul3A_1212 = vector.broadcast %mul3A_1211 : i32 to vector<128x1xi32>
    %mul3A_1213 = arith.muli %and3A_1210, %mul3A_1212 : vector<128x1xi32>
    %add3A_1214 = arith.addi %mul3A_1213, %broadcast_in_dim3A_1204 : vector<128x1xi32>
    %broadcast_in_dim3A_1215 = vector.shape_cast %add3A_1214 : vector<128x1xi32> to vector<128x1xi32>
    %broadcast_in_dim3A_1216 = vector.broadcast %broadcast_in_dim3A_1215 : vector<128x1xi32> to vector<128x16xi32>
    %select_n3A_1217 = arith.select %eq3A_1207, %broadcast_in_dim3A_1216, %select_n3A_1170 : vector<128x16xi1>, vector<128x16xi32>
    %gt3A_1218 = vector.broadcast %broadcast_in_dim3A_1196 : vector<128x1xi32> to vector<128x128xi32>
    %gt3A_1219 = arith.cmpi sgt, %min3A_976, %gt3A_1218 : vector<128x128xi32>
    %jit3A_1220 = arith.constant 2147483647 : i32
    %broadcast_in_dim3A_1221 = vector.broadcast %jit3A_1220 : i32 to vector<128x128xi32>
    %select_n3A_1222 = arith.select %gt3A_1219, %min3A_976, %broadcast_in_dim3A_1221 : vector<128x128xi1>, vector<128x128xi32>
    %gt3A_1223 = vector.broadcast %broadcast_in_dim3A_1196 : vector<128x1xi32> to vector<128x128xi32>
    %gt3A_1224 = arith.cmpi sgt, %min3A_978, %gt3A_1223 : vector<128x128xi32>
    %jit3A_1225 = arith.constant 2147483647 : i32
    %broadcast_in_dim3A_1226 = vector.broadcast %jit3A_1225 : i32 to vector<128x128xi32>
    %select_n3A_1227 = arith.select %gt3A_1224, %min3A_978, %broadcast_in_dim3A_1226 : vector<128x128xi1>, vector<128x128xi32>
    %gt3A_1228 = vector.broadcast %broadcast_in_dim3A_1196 : vector<128x1xi32> to vector<128x128xi32>
    %gt3A_1229 = arith.cmpi sgt, %min3A_980, %gt3A_1228 : vector<128x128xi32>
    %jit3A_1230 = arith.constant 2147483647 : i32
    %broadcast_in_dim3A_1231 = vector.broadcast %jit3A_1230 : i32 to vector<128x128xi32>
    %select_n3A_1232 = arith.select %gt3A_1229, %min3A_980, %broadcast_in_dim3A_1231 : vector<128x128xi1>, vector<128x128xi32>
    %gt3A_1233 = vector.broadcast %broadcast_in_dim3A_1196 : vector<128x1xi32> to vector<128x128xi32>
    %gt3A_1234 = arith.cmpi sgt, %min3A_982, %gt3A_1233 : vector<128x128xi32>
    %jit3A_1235 = arith.constant 2147483647 : i32
    %broadcast_in_dim3A_1236 = vector.broadcast %jit3A_1235 : i32 to vector<128x128xi32>
    %select_n3A_1237 = arith.select %gt3A_1234, %min3A_982, %broadcast_in_dim3A_1236 : vector<128x128xi1>, vector<128x128xi32>
    %min3A_1238 = arith.minsi %select_n3A_1222, %select_n3A_1227 : vector<128x128xi32>
    %min3A_1239 = arith.minsi %select_n3A_1232, %select_n3A_1237 : vector<128x128xi32>
    %min3A_1240 = arith.minsi %min3A_1238, %min3A_1239 : vector<128x128xi32>
    %reduce_min3A_1241 = arith.constant dense<2147483647> : vector<128xi32>
    %reduce_min3A_1242 = vector.multi_reduction <minsi>, %min3A_1240, %reduce_min3A_1241 [1] : vector<128x128xi32> to vector<128xi32>
    %broadcast_in_dim3A_1243 = vector.shape_cast %reduce_min3A_1242 : vector<128xi32> to vector<128x1xi32>
    %eq3A_1244 = vector.broadcast %broadcast_in_dim3A_1243 : vector<128x1xi32> to vector<128x128xi32>
    %eq3A_1245 = arith.cmpi eq, %min3A_1240, %eq3A_1244 : vector<128x128xi32>
    %jit3A_1246 = arith.constant 8192 : i32
    %broadcast_in_dim3A_1247 = vector.broadcast %jit3A_1246 : i32 to vector<128x128xi32>
    %select_n3A_1248 = arith.select %eq3A_1245, %iota3A, %broadcast_in_dim3A_1247 : vector<128x128xi1>, vector<128x128xi32>
    %reduce_min3A_1249 = arith.constant dense<2147483647> : vector<128xi32>
    %reduce_min3A_1250 = vector.multi_reduction <minsi>, %select_n3A_1248, %reduce_min3A_1249 [1] : vector<128x128xi32> to vector<128xi32>
    %broadcast_in_dim3A_1251 = vector.shape_cast %reduce_min3A_1250 : vector<128xi32> to vector<128x1xi32>
    %eq3A_1252 = arith.constant 5 : i32
    %eq3A_1253 = vector.broadcast %eq3A_1252 : i32 to vector<128x16xi32>
    %eq3A_1254 = arith.cmpi eq, %iota3A_983, %eq3A_1253 : vector<128x16xi32>
    %and3A_1255 = arith.constant 63 : i32
    %and3A_1256 = vector.broadcast %and3A_1255 : i32 to vector<128x1xi32>
    %and3A_1257 = arith.andi %broadcast_in_dim3A_1243, %and3A_1256 : vector<128x1xi32>
    %mul3A_1258 = arith.constant 128 : i32
    %mul3A_1259 = vector.broadcast %mul3A_1258 : i32 to vector<128x1xi32>
    %mul3A_1260 = arith.muli %and3A_1257, %mul3A_1259 : vector<128x1xi32>
    %add3A_1261 = arith.addi %mul3A_1260, %broadcast_in_dim3A_1251 : vector<128x1xi32>
    %broadcast_in_dim3A_1262 = vector.shape_cast %add3A_1261 : vector<128x1xi32> to vector<128x1xi32>
    %broadcast_in_dim3A_1263 = vector.broadcast %broadcast_in_dim3A_1262 : vector<128x1xi32> to vector<128x16xi32>
    %select_n3A_1264 = arith.select %eq3A_1254, %broadcast_in_dim3A_1263, %select_n3A_1217 : vector<128x16xi1>, vector<128x16xi32>
    %gt3A_1265 = vector.broadcast %broadcast_in_dim3A_1243 : vector<128x1xi32> to vector<128x128xi32>
    %gt3A_1266 = arith.cmpi sgt, %min3A_976, %gt3A_1265 : vector<128x128xi32>
    %jit3A_1267 = arith.constant 2147483647 : i32
    %broadcast_in_dim3A_1268 = vector.broadcast %jit3A_1267 : i32 to vector<128x128xi32>
    %select_n3A_1269 = arith.select %gt3A_1266, %min3A_976, %broadcast_in_dim3A_1268 : vector<128x128xi1>, vector<128x128xi32>
    %gt3A_1270 = vector.broadcast %broadcast_in_dim3A_1243 : vector<128x1xi32> to vector<128x128xi32>
    %gt3A_1271 = arith.cmpi sgt, %min3A_978, %gt3A_1270 : vector<128x128xi32>
    %jit3A_1272 = arith.constant 2147483647 : i32
    %broadcast_in_dim3A_1273 = vector.broadcast %jit3A_1272 : i32 to vector<128x128xi32>
    %select_n3A_1274 = arith.select %gt3A_1271, %min3A_978, %broadcast_in_dim3A_1273 : vector<128x128xi1>, vector<128x128xi32>
    %gt3A_1275 = vector.broadcast %broadcast_in_dim3A_1243 : vector<128x1xi32> to vector<128x128xi32>
    %gt3A_1276 = arith.cmpi sgt, %min3A_980, %gt3A_1275 : vector<128x128xi32>
    %jit3A_1277 = arith.constant 2147483647 : i32
    %broadcast_in_dim3A_1278 = vector.broadcast %jit3A_1277 : i32 to vector<128x128xi32>
    %select_n3A_1279 = arith.select %gt3A_1276, %min3A_980, %broadcast_in_dim3A_1278 : vector<128x128xi1>, vector<128x128xi32>
    %gt3A_1280 = vector.broadcast %broadcast_in_dim3A_1243 : vector<128x1xi32> to vector<128x128xi32>
    %gt3A_1281 = arith.cmpi sgt, %min3A_982, %gt3A_1280 : vector<128x128xi32>
    %jit3A_1282 = arith.constant 2147483647 : i32
    %broadcast_in_dim3A_1283 = vector.broadcast %jit3A_1282 : i32 to vector<128x128xi32>
    %select_n3A_1284 = arith.select %gt3A_1281, %min3A_982, %broadcast_in_dim3A_1283 : vector<128x128xi1>, vector<128x128xi32>
    %min3A_1285 = arith.minsi %select_n3A_1269, %select_n3A_1274 : vector<128x128xi32>
    %min3A_1286 = arith.minsi %select_n3A_1279, %select_n3A_1284 : vector<128x128xi32>
    %min3A_1287 = arith.minsi %min3A_1285, %min3A_1286 : vector<128x128xi32>
    %reduce_min3A_1288 = arith.constant dense<2147483647> : vector<128xi32>
    %reduce_min3A_1289 = vector.multi_reduction <minsi>, %min3A_1287, %reduce_min3A_1288 [1] : vector<128x128xi32> to vector<128xi32>
    %broadcast_in_dim3A_1290 = vector.shape_cast %reduce_min3A_1289 : vector<128xi32> to vector<128x1xi32>
    %eq3A_1291 = vector.broadcast %broadcast_in_dim3A_1290 : vector<128x1xi32> to vector<128x128xi32>
    %eq3A_1292 = arith.cmpi eq, %min3A_1287, %eq3A_1291 : vector<128x128xi32>
    %jit3A_1293 = arith.constant 8192 : i32
    %broadcast_in_dim3A_1294 = vector.broadcast %jit3A_1293 : i32 to vector<128x128xi32>
    %select_n3A_1295 = arith.select %eq3A_1292, %iota3A, %broadcast_in_dim3A_1294 : vector<128x128xi1>, vector<128x128xi32>
    %reduce_min3A_1296 = arith.constant dense<2147483647> : vector<128xi32>
    %reduce_min3A_1297 = vector.multi_reduction <minsi>, %select_n3A_1295, %reduce_min3A_1296 [1] : vector<128x128xi32> to vector<128xi32>
    %broadcast_in_dim3A_1298 = vector.shape_cast %reduce_min3A_1297 : vector<128xi32> to vector<128x1xi32>
    %eq3A_1299 = arith.constant 6 : i32
    %eq3A_1300 = vector.broadcast %eq3A_1299 : i32 to vector<128x16xi32>
    %eq3A_1301 = arith.cmpi eq, %iota3A_983, %eq3A_1300 : vector<128x16xi32>
    %and3A_1302 = arith.constant 63 : i32
    %and3A_1303 = vector.broadcast %and3A_1302 : i32 to vector<128x1xi32>
    %and3A_1304 = arith.andi %broadcast_in_dim3A_1290, %and3A_1303 : vector<128x1xi32>
    %mul3A_1305 = arith.constant 128 : i32
    %mul3A_1306 = vector.broadcast %mul3A_1305 : i32 to vector<128x1xi32>
    %mul3A_1307 = arith.muli %and3A_1304, %mul3A_1306 : vector<128x1xi32>
    %add3A_1308 = arith.addi %mul3A_1307, %broadcast_in_dim3A_1298 : vector<128x1xi32>
    %broadcast_in_dim3A_1309 = vector.shape_cast %add3A_1308 : vector<128x1xi32> to vector<128x1xi32>
    %broadcast_in_dim3A_1310 = vector.broadcast %broadcast_in_dim3A_1309 : vector<128x1xi32> to vector<128x16xi32>
    %select_n3A_1311 = arith.select %eq3A_1301, %broadcast_in_dim3A_1310, %select_n3A_1264 : vector<128x16xi1>, vector<128x16xi32>
    %gt3A_1312 = vector.broadcast %broadcast_in_dim3A_1290 : vector<128x1xi32> to vector<128x128xi32>
    %gt3A_1313 = arith.cmpi sgt, %min3A_976, %gt3A_1312 : vector<128x128xi32>
    %jit3A_1314 = arith.constant 2147483647 : i32
    %broadcast_in_dim3A_1315 = vector.broadcast %jit3A_1314 : i32 to vector<128x128xi32>
    %select_n3A_1316 = arith.select %gt3A_1313, %min3A_976, %broadcast_in_dim3A_1315 : vector<128x128xi1>, vector<128x128xi32>
    %gt3A_1317 = vector.broadcast %broadcast_in_dim3A_1290 : vector<128x1xi32> to vector<128x128xi32>
    %gt3A_1318 = arith.cmpi sgt, %min3A_978, %gt3A_1317 : vector<128x128xi32>
    %jit3A_1319 = arith.constant 2147483647 : i32
    %broadcast_in_dim3A_1320 = vector.broadcast %jit3A_1319 : i32 to vector<128x128xi32>
    %select_n3A_1321 = arith.select %gt3A_1318, %min3A_978, %broadcast_in_dim3A_1320 : vector<128x128xi1>, vector<128x128xi32>
    %gt3A_1322 = vector.broadcast %broadcast_in_dim3A_1290 : vector<128x1xi32> to vector<128x128xi32>
    %gt3A_1323 = arith.cmpi sgt, %min3A_980, %gt3A_1322 : vector<128x128xi32>
    %jit3A_1324 = arith.constant 2147483647 : i32
    %broadcast_in_dim3A_1325 = vector.broadcast %jit3A_1324 : i32 to vector<128x128xi32>
    %select_n3A_1326 = arith.select %gt3A_1323, %min3A_980, %broadcast_in_dim3A_1325 : vector<128x128xi1>, vector<128x128xi32>
    %gt3A_1327 = vector.broadcast %broadcast_in_dim3A_1290 : vector<128x1xi32> to vector<128x128xi32>
    %gt3A_1328 = arith.cmpi sgt, %min3A_982, %gt3A_1327 : vector<128x128xi32>
    %jit3A_1329 = arith.constant 2147483647 : i32
    %broadcast_in_dim3A_1330 = vector.broadcast %jit3A_1329 : i32 to vector<128x128xi32>
    %select_n3A_1331 = arith.select %gt3A_1328, %min3A_982, %broadcast_in_dim3A_1330 : vector<128x128xi1>, vector<128x128xi32>
    %min3A_1332 = arith.minsi %select_n3A_1316, %select_n3A_1321 : vector<128x128xi32>
    %min3A_1333 = arith.minsi %select_n3A_1326, %select_n3A_1331 : vector<128x128xi32>
    %min3A_1334 = arith.minsi %min3A_1332, %min3A_1333 : vector<128x128xi32>
    %reduce_min3A_1335 = arith.constant dense<2147483647> : vector<128xi32>
    %reduce_min3A_1336 = vector.multi_reduction <minsi>, %min3A_1334, %reduce_min3A_1335 [1] : vector<128x128xi32> to vector<128xi32>
    %broadcast_in_dim3A_1337 = vector.shape_cast %reduce_min3A_1336 : vector<128xi32> to vector<128x1xi32>
    %eq3A_1338 = vector.broadcast %broadcast_in_dim3A_1337 : vector<128x1xi32> to vector<128x128xi32>
    %eq3A_1339 = arith.cmpi eq, %min3A_1334, %eq3A_1338 : vector<128x128xi32>
    %jit3A_1340 = arith.constant 8192 : i32
    %broadcast_in_dim3A_1341 = vector.broadcast %jit3A_1340 : i32 to vector<128x128xi32>
    %select_n3A_1342 = arith.select %eq3A_1339, %iota3A, %broadcast_in_dim3A_1341 : vector<128x128xi1>, vector<128x128xi32>
    %reduce_min3A_1343 = arith.constant dense<2147483647> : vector<128xi32>
    %reduce_min3A_1344 = vector.multi_reduction <minsi>, %select_n3A_1342, %reduce_min3A_1343 [1] : vector<128x128xi32> to vector<128xi32>
    %broadcast_in_dim3A_1345 = vector.shape_cast %reduce_min3A_1344 : vector<128xi32> to vector<128x1xi32>
    %eq3A_1346 = arith.constant 7 : i32
    %eq3A_1347 = vector.broadcast %eq3A_1346 : i32 to vector<128x16xi32>
    %eq3A_1348 = arith.cmpi eq, %iota3A_983, %eq3A_1347 : vector<128x16xi32>
    %and3A_1349 = arith.constant 63 : i32
    %and3A_1350 = vector.broadcast %and3A_1349 : i32 to vector<128x1xi32>
    %and3A_1351 = arith.andi %broadcast_in_dim3A_1337, %and3A_1350 : vector<128x1xi32>
    %mul3A_1352 = arith.constant 128 : i32
    %mul3A_1353 = vector.broadcast %mul3A_1352 : i32 to vector<128x1xi32>
    %mul3A_1354 = arith.muli %and3A_1351, %mul3A_1353 : vector<128x1xi32>
    %add3A_1355 = arith.addi %mul3A_1354, %broadcast_in_dim3A_1345 : vector<128x1xi32>
    %broadcast_in_dim3A_1356 = vector.shape_cast %add3A_1355 : vector<128x1xi32> to vector<128x1xi32>
    %broadcast_in_dim3A_1357 = vector.broadcast %broadcast_in_dim3A_1356 : vector<128x1xi32> to vector<128x16xi32>
    %select_n3A_1358 = arith.select %eq3A_1348, %broadcast_in_dim3A_1357, %select_n3A_1311 : vector<128x16xi1>, vector<128x16xi32>
    %gt3A_1359 = vector.broadcast %broadcast_in_dim3A_1337 : vector<128x1xi32> to vector<128x128xi32>
    %gt3A_1360 = arith.cmpi sgt, %min3A_976, %gt3A_1359 : vector<128x128xi32>
    %jit3A_1361 = arith.constant 2147483647 : i32
    %broadcast_in_dim3A_1362 = vector.broadcast %jit3A_1361 : i32 to vector<128x128xi32>
    %select_n3A_1363 = arith.select %gt3A_1360, %min3A_976, %broadcast_in_dim3A_1362 : vector<128x128xi1>, vector<128x128xi32>
    %gt3A_1364 = vector.broadcast %broadcast_in_dim3A_1337 : vector<128x1xi32> to vector<128x128xi32>
    %gt3A_1365 = arith.cmpi sgt, %min3A_978, %gt3A_1364 : vector<128x128xi32>
    %jit3A_1366 = arith.constant 2147483647 : i32
    %broadcast_in_dim3A_1367 = vector.broadcast %jit3A_1366 : i32 to vector<128x128xi32>
    %select_n3A_1368 = arith.select %gt3A_1365, %min3A_978, %broadcast_in_dim3A_1367 : vector<128x128xi1>, vector<128x128xi32>
    %gt3A_1369 = vector.broadcast %broadcast_in_dim3A_1337 : vector<128x1xi32> to vector<128x128xi32>
    %gt3A_1370 = arith.cmpi sgt, %min3A_980, %gt3A_1369 : vector<128x128xi32>
    %jit3A_1371 = arith.constant 2147483647 : i32
    %broadcast_in_dim3A_1372 = vector.broadcast %jit3A_1371 : i32 to vector<128x128xi32>
    %select_n3A_1373 = arith.select %gt3A_1370, %min3A_980, %broadcast_in_dim3A_1372 : vector<128x128xi1>, vector<128x128xi32>
    %gt3A_1374 = vector.broadcast %broadcast_in_dim3A_1337 : vector<128x1xi32> to vector<128x128xi32>
    %gt3A_1375 = arith.cmpi sgt, %min3A_982, %gt3A_1374 : vector<128x128xi32>
    %jit3A_1376 = arith.constant 2147483647 : i32
    %broadcast_in_dim3A_1377 = vector.broadcast %jit3A_1376 : i32 to vector<128x128xi32>
    %select_n3A_1378 = arith.select %gt3A_1375, %min3A_982, %broadcast_in_dim3A_1377 : vector<128x128xi1>, vector<128x128xi32>
    %min3A_1379 = arith.minsi %select_n3A_1363, %select_n3A_1368 : vector<128x128xi32>
    %min3A_1380 = arith.minsi %select_n3A_1373, %select_n3A_1378 : vector<128x128xi32>
    %min3A_1381 = arith.minsi %min3A_1379, %min3A_1380 : vector<128x128xi32>
    %reduce_min3A_1382 = arith.constant dense<2147483647> : vector<128xi32>
    %reduce_min3A_1383 = vector.multi_reduction <minsi>, %min3A_1381, %reduce_min3A_1382 [1] : vector<128x128xi32> to vector<128xi32>
    %broadcast_in_dim3A_1384 = vector.shape_cast %reduce_min3A_1383 : vector<128xi32> to vector<128x1xi32>
    %eq3A_1385 = vector.broadcast %broadcast_in_dim3A_1384 : vector<128x1xi32> to vector<128x128xi32>
    %eq3A_1386 = arith.cmpi eq, %min3A_1381, %eq3A_1385 : vector<128x128xi32>
    %jit3A_1387 = arith.constant 8192 : i32
    %broadcast_in_dim3A_1388 = vector.broadcast %jit3A_1387 : i32 to vector<128x128xi32>
    %select_n3A_1389 = arith.select %eq3A_1386, %iota3A, %broadcast_in_dim3A_1388 : vector<128x128xi1>, vector<128x128xi32>
    %reduce_min3A_1390 = arith.constant dense<2147483647> : vector<128xi32>
    %reduce_min3A_1391 = vector.multi_reduction <minsi>, %select_n3A_1389, %reduce_min3A_1390 [1] : vector<128x128xi32> to vector<128xi32>
    %broadcast_in_dim3A_1392 = vector.shape_cast %reduce_min3A_1391 : vector<128xi32> to vector<128x1xi32>
    %eq3A_1393 = arith.constant 8 : i32
    %eq3A_1394 = vector.broadcast %eq3A_1393 : i32 to vector<128x16xi32>
    %eq3A_1395 = arith.cmpi eq, %iota3A_983, %eq3A_1394 : vector<128x16xi32>
    %and3A_1396 = arith.constant 63 : i32
    %and3A_1397 = vector.broadcast %and3A_1396 : i32 to vector<128x1xi32>
    %and3A_1398 = arith.andi %broadcast_in_dim3A_1384, %and3A_1397 : vector<128x1xi32>
    %mul3A_1399 = arith.constant 128 : i32
    %mul3A_1400 = vector.broadcast %mul3A_1399 : i32 to vector<128x1xi32>
    %mul3A_1401 = arith.muli %and3A_1398, %mul3A_1400 : vector<128x1xi32>
    %add3A_1402 = arith.addi %mul3A_1401, %broadcast_in_dim3A_1392 : vector<128x1xi32>
    %broadcast_in_dim3A_1403 = vector.shape_cast %add3A_1402 : vector<128x1xi32> to vector<128x1xi32>
    %broadcast_in_dim3A_1404 = vector.broadcast %broadcast_in_dim3A_1403 : vector<128x1xi32> to vector<128x16xi32>
    %select_n3A_1405 = arith.select %eq3A_1395, %broadcast_in_dim3A_1404, %select_n3A_1358 : vector<128x16xi1>, vector<128x16xi32>
    %gt3A_1406 = vector.broadcast %broadcast_in_dim3A_1384 : vector<128x1xi32> to vector<128x128xi32>
    %gt3A_1407 = arith.cmpi sgt, %min3A_976, %gt3A_1406 : vector<128x128xi32>
    %jit3A_1408 = arith.constant 2147483647 : i32
    %broadcast_in_dim3A_1409 = vector.broadcast %jit3A_1408 : i32 to vector<128x128xi32>
    %select_n3A_1410 = arith.select %gt3A_1407, %min3A_976, %broadcast_in_dim3A_1409 : vector<128x128xi1>, vector<128x128xi32>
    %gt3A_1411 = vector.broadcast %broadcast_in_dim3A_1384 : vector<128x1xi32> to vector<128x128xi32>
    %gt3A_1412 = arith.cmpi sgt, %min3A_978, %gt3A_1411 : vector<128x128xi32>
    %jit3A_1413 = arith.constant 2147483647 : i32
    %broadcast_in_dim3A_1414 = vector.broadcast %jit3A_1413 : i32 to vector<128x128xi32>
    %select_n3A_1415 = arith.select %gt3A_1412, %min3A_978, %broadcast_in_dim3A_1414 : vector<128x128xi1>, vector<128x128xi32>
    %gt3A_1416 = vector.broadcast %broadcast_in_dim3A_1384 : vector<128x1xi32> to vector<128x128xi32>
    %gt3A_1417 = arith.cmpi sgt, %min3A_980, %gt3A_1416 : vector<128x128xi32>
    %jit3A_1418 = arith.constant 2147483647 : i32
    %broadcast_in_dim3A_1419 = vector.broadcast %jit3A_1418 : i32 to vector<128x128xi32>
    %select_n3A_1420 = arith.select %gt3A_1417, %min3A_980, %broadcast_in_dim3A_1419 : vector<128x128xi1>, vector<128x128xi32>
    %gt3A_1421 = vector.broadcast %broadcast_in_dim3A_1384 : vector<128x1xi32> to vector<128x128xi32>
    %gt3A_1422 = arith.cmpi sgt, %min3A_982, %gt3A_1421 : vector<128x128xi32>
    %jit3A_1423 = arith.constant 2147483647 : i32
    %broadcast_in_dim3A_1424 = vector.broadcast %jit3A_1423 : i32 to vector<128x128xi32>
    %select_n3A_1425 = arith.select %gt3A_1422, %min3A_982, %broadcast_in_dim3A_1424 : vector<128x128xi1>, vector<128x128xi32>
    %min3A_1426 = arith.minsi %select_n3A_1410, %select_n3A_1415 : vector<128x128xi32>
    %min3A_1427 = arith.minsi %select_n3A_1420, %select_n3A_1425 : vector<128x128xi32>
    %min3A_1428 = arith.minsi %min3A_1426, %min3A_1427 : vector<128x128xi32>
    %reduce_min3A_1429 = arith.constant dense<2147483647> : vector<128xi32>
    %reduce_min3A_1430 = vector.multi_reduction <minsi>, %min3A_1428, %reduce_min3A_1429 [1] : vector<128x128xi32> to vector<128xi32>
    %broadcast_in_dim3A_1431 = vector.shape_cast %reduce_min3A_1430 : vector<128xi32> to vector<128x1xi32>
    %eq3A_1432 = vector.broadcast %broadcast_in_dim3A_1431 : vector<128x1xi32> to vector<128x128xi32>
    %eq3A_1433 = arith.cmpi eq, %min3A_1428, %eq3A_1432 : vector<128x128xi32>
    %jit3A_1434 = arith.constant 8192 : i32
    %broadcast_in_dim3A_1435 = vector.broadcast %jit3A_1434 : i32 to vector<128x128xi32>
    %select_n3A_1436 = arith.select %eq3A_1433, %iota3A, %broadcast_in_dim3A_1435 : vector<128x128xi1>, vector<128x128xi32>
    %reduce_min3A_1437 = arith.constant dense<2147483647> : vector<128xi32>
    %reduce_min3A_1438 = vector.multi_reduction <minsi>, %select_n3A_1436, %reduce_min3A_1437 [1] : vector<128x128xi32> to vector<128xi32>
    %broadcast_in_dim3A_1439 = vector.shape_cast %reduce_min3A_1438 : vector<128xi32> to vector<128x1xi32>
    %eq3A_1440 = arith.constant 9 : i32
    %eq3A_1441 = vector.broadcast %eq3A_1440 : i32 to vector<128x16xi32>
    %eq3A_1442 = arith.cmpi eq, %iota3A_983, %eq3A_1441 : vector<128x16xi32>
    %and3A_1443 = arith.constant 63 : i32
    %and3A_1444 = vector.broadcast %and3A_1443 : i32 to vector<128x1xi32>
    %and3A_1445 = arith.andi %broadcast_in_dim3A_1431, %and3A_1444 : vector<128x1xi32>
    %mul3A_1446 = arith.constant 128 : i32
    %mul3A_1447 = vector.broadcast %mul3A_1446 : i32 to vector<128x1xi32>
    %mul3A_1448 = arith.muli %and3A_1445, %mul3A_1447 : vector<128x1xi32>
    %add3A_1449 = arith.addi %mul3A_1448, %broadcast_in_dim3A_1439 : vector<128x1xi32>
    %broadcast_in_dim3A_1450 = vector.shape_cast %add3A_1449 : vector<128x1xi32> to vector<128x1xi32>
    %broadcast_in_dim3A_1451 = vector.broadcast %broadcast_in_dim3A_1450 : vector<128x1xi32> to vector<128x16xi32>
    %select_n3A_1452 = arith.select %eq3A_1442, %broadcast_in_dim3A_1451, %select_n3A_1405 : vector<128x16xi1>, vector<128x16xi32>
    %gt3A_1453 = vector.broadcast %broadcast_in_dim3A_1431 : vector<128x1xi32> to vector<128x128xi32>
    %gt3A_1454 = arith.cmpi sgt, %min3A_976, %gt3A_1453 : vector<128x128xi32>
    %jit3A_1455 = arith.constant 2147483647 : i32
    %broadcast_in_dim3A_1456 = vector.broadcast %jit3A_1455 : i32 to vector<128x128xi32>
    %select_n3A_1457 = arith.select %gt3A_1454, %min3A_976, %broadcast_in_dim3A_1456 : vector<128x128xi1>, vector<128x128xi32>
    %gt3A_1458 = vector.broadcast %broadcast_in_dim3A_1431 : vector<128x1xi32> to vector<128x128xi32>
    %gt3A_1459 = arith.cmpi sgt, %min3A_978, %gt3A_1458 : vector<128x128xi32>
    %jit3A_1460 = arith.constant 2147483647 : i32
    %broadcast_in_dim3A_1461 = vector.broadcast %jit3A_1460 : i32 to vector<128x128xi32>
    %select_n3A_1462 = arith.select %gt3A_1459, %min3A_978, %broadcast_in_dim3A_1461 : vector<128x128xi1>, vector<128x128xi32>
    %gt3A_1463 = vector.broadcast %broadcast_in_dim3A_1431 : vector<128x1xi32> to vector<128x128xi32>
    %gt3A_1464 = arith.cmpi sgt, %min3A_980, %gt3A_1463 : vector<128x128xi32>
    %jit3A_1465 = arith.constant 2147483647 : i32
    %broadcast_in_dim3A_1466 = vector.broadcast %jit3A_1465 : i32 to vector<128x128xi32>
    %select_n3A_1467 = arith.select %gt3A_1464, %min3A_980, %broadcast_in_dim3A_1466 : vector<128x128xi1>, vector<128x128xi32>
    %gt3A_1468 = vector.broadcast %broadcast_in_dim3A_1431 : vector<128x1xi32> to vector<128x128xi32>
    %gt3A_1469 = arith.cmpi sgt, %min3A_982, %gt3A_1468 : vector<128x128xi32>
    %jit3A_1470 = arith.constant 2147483647 : i32
    %broadcast_in_dim3A_1471 = vector.broadcast %jit3A_1470 : i32 to vector<128x128xi32>
    %select_n3A_1472 = arith.select %gt3A_1469, %min3A_982, %broadcast_in_dim3A_1471 : vector<128x128xi1>, vector<128x128xi32>
    %min3A_1473 = arith.minsi %select_n3A_1457, %select_n3A_1462 : vector<128x128xi32>
    %min3A_1474 = arith.minsi %select_n3A_1467, %select_n3A_1472 : vector<128x128xi32>
    %min3A_1475 = arith.minsi %min3A_1473, %min3A_1474 : vector<128x128xi32>
    %reduce_min3A_1476 = arith.constant dense<2147483647> : vector<128xi32>
    %reduce_min3A_1477 = vector.multi_reduction <minsi>, %min3A_1475, %reduce_min3A_1476 [1] : vector<128x128xi32> to vector<128xi32>
    %broadcast_in_dim3A_1478 = vector.shape_cast %reduce_min3A_1477 : vector<128xi32> to vector<128x1xi32>
    %eq3A_1479 = vector.broadcast %broadcast_in_dim3A_1478 : vector<128x1xi32> to vector<128x128xi32>
    %eq3A_1480 = arith.cmpi eq, %min3A_1475, %eq3A_1479 : vector<128x128xi32>
    %jit3A_1481 = arith.constant 8192 : i32
    %broadcast_in_dim3A_1482 = vector.broadcast %jit3A_1481 : i32 to vector<128x128xi32>
    %select_n3A_1483 = arith.select %eq3A_1480, %iota3A, %broadcast_in_dim3A_1482 : vector<128x128xi1>, vector<128x128xi32>
    %reduce_min3A_1484 = arith.constant dense<2147483647> : vector<128xi32>
    %reduce_min3A_1485 = vector.multi_reduction <minsi>, %select_n3A_1483, %reduce_min3A_1484 [1] : vector<128x128xi32> to vector<128xi32>
    %broadcast_in_dim3A_1486 = vector.shape_cast %reduce_min3A_1485 : vector<128xi32> to vector<128x1xi32>
    %eq3A_1487 = arith.constant 10 : i32
    %eq3A_1488 = vector.broadcast %eq3A_1487 : i32 to vector<128x16xi32>
    %eq3A_1489 = arith.cmpi eq, %iota3A_983, %eq3A_1488 : vector<128x16xi32>
    %and3A_1490 = arith.constant 63 : i32
    %and3A_1491 = vector.broadcast %and3A_1490 : i32 to vector<128x1xi32>
    %and3A_1492 = arith.andi %broadcast_in_dim3A_1478, %and3A_1491 : vector<128x1xi32>
    %mul3A_1493 = arith.constant 128 : i32
    %mul3A_1494 = vector.broadcast %mul3A_1493 : i32 to vector<128x1xi32>
    %mul3A_1495 = arith.muli %and3A_1492, %mul3A_1494 : vector<128x1xi32>
    %add3A_1496 = arith.addi %mul3A_1495, %broadcast_in_dim3A_1486 : vector<128x1xi32>
    %broadcast_in_dim3A_1497 = vector.shape_cast %add3A_1496 : vector<128x1xi32> to vector<128x1xi32>
    %broadcast_in_dim3A_1498 = vector.broadcast %broadcast_in_dim3A_1497 : vector<128x1xi32> to vector<128x16xi32>
    %select_n3A_1499 = arith.select %eq3A_1489, %broadcast_in_dim3A_1498, %select_n3A_1452 : vector<128x16xi1>, vector<128x16xi32>
    %gt3A_1500 = vector.broadcast %broadcast_in_dim3A_1478 : vector<128x1xi32> to vector<128x128xi32>
    %gt3A_1501 = arith.cmpi sgt, %min3A_976, %gt3A_1500 : vector<128x128xi32>
    %jit3A_1502 = arith.constant 2147483647 : i32
    %broadcast_in_dim3A_1503 = vector.broadcast %jit3A_1502 : i32 to vector<128x128xi32>
    %select_n3A_1504 = arith.select %gt3A_1501, %min3A_976, %broadcast_in_dim3A_1503 : vector<128x128xi1>, vector<128x128xi32>
    %gt3A_1505 = vector.broadcast %broadcast_in_dim3A_1478 : vector<128x1xi32> to vector<128x128xi32>
    %gt3A_1506 = arith.cmpi sgt, %min3A_978, %gt3A_1505 : vector<128x128xi32>
    %jit3A_1507 = arith.constant 2147483647 : i32
    %broadcast_in_dim3A_1508 = vector.broadcast %jit3A_1507 : i32 to vector<128x128xi32>
    %select_n3A_1509 = arith.select %gt3A_1506, %min3A_978, %broadcast_in_dim3A_1508 : vector<128x128xi1>, vector<128x128xi32>
    %gt3A_1510 = vector.broadcast %broadcast_in_dim3A_1478 : vector<128x1xi32> to vector<128x128xi32>
    %gt3A_1511 = arith.cmpi sgt, %min3A_980, %gt3A_1510 : vector<128x128xi32>
    %jit3A_1512 = arith.constant 2147483647 : i32
    %broadcast_in_dim3A_1513 = vector.broadcast %jit3A_1512 : i32 to vector<128x128xi32>
    %select_n3A_1514 = arith.select %gt3A_1511, %min3A_980, %broadcast_in_dim3A_1513 : vector<128x128xi1>, vector<128x128xi32>
    %gt3A_1515 = vector.broadcast %broadcast_in_dim3A_1478 : vector<128x1xi32> to vector<128x128xi32>
    %gt3A_1516 = arith.cmpi sgt, %min3A_982, %gt3A_1515 : vector<128x128xi32>
    %jit3A_1517 = arith.constant 2147483647 : i32
    %broadcast_in_dim3A_1518 = vector.broadcast %jit3A_1517 : i32 to vector<128x128xi32>
    %select_n3A_1519 = arith.select %gt3A_1516, %min3A_982, %broadcast_in_dim3A_1518 : vector<128x128xi1>, vector<128x128xi32>
    %min3A_1520 = arith.minsi %select_n3A_1504, %select_n3A_1509 : vector<128x128xi32>
    %min3A_1521 = arith.minsi %select_n3A_1514, %select_n3A_1519 : vector<128x128xi32>
    %min3A_1522 = arith.minsi %min3A_1520, %min3A_1521 : vector<128x128xi32>
    %reduce_min3A_1523 = arith.constant dense<2147483647> : vector<128xi32>
    %reduce_min3A_1524 = vector.multi_reduction <minsi>, %min3A_1522, %reduce_min3A_1523 [1] : vector<128x128xi32> to vector<128xi32>
    %broadcast_in_dim3A_1525 = vector.shape_cast %reduce_min3A_1524 : vector<128xi32> to vector<128x1xi32>
    %eq3A_1526 = vector.broadcast %broadcast_in_dim3A_1525 : vector<128x1xi32> to vector<128x128xi32>
    %eq3A_1527 = arith.cmpi eq, %min3A_1522, %eq3A_1526 : vector<128x128xi32>
    %jit3A_1528 = arith.constant 8192 : i32
    %broadcast_in_dim3A_1529 = vector.broadcast %jit3A_1528 : i32 to vector<128x128xi32>
    %select_n3A_1530 = arith.select %eq3A_1527, %iota3A, %broadcast_in_dim3A_1529 : vector<128x128xi1>, vector<128x128xi32>
    %reduce_min3A_1531 = arith.constant dense<2147483647> : vector<128xi32>
    %reduce_min3A_1532 = vector.multi_reduction <minsi>, %select_n3A_1530, %reduce_min3A_1531 [1] : vector<128x128xi32> to vector<128xi32>
    %broadcast_in_dim3A_1533 = vector.shape_cast %reduce_min3A_1532 : vector<128xi32> to vector<128x1xi32>
    %eq3A_1534 = arith.constant 11 : i32
    %eq3A_1535 = vector.broadcast %eq3A_1534 : i32 to vector<128x16xi32>
    %eq3A_1536 = arith.cmpi eq, %iota3A_983, %eq3A_1535 : vector<128x16xi32>
    %and3A_1537 = arith.constant 63 : i32
    %and3A_1538 = vector.broadcast %and3A_1537 : i32 to vector<128x1xi32>
    %and3A_1539 = arith.andi %broadcast_in_dim3A_1525, %and3A_1538 : vector<128x1xi32>
    %mul3A_1540 = arith.constant 128 : i32
    %mul3A_1541 = vector.broadcast %mul3A_1540 : i32 to vector<128x1xi32>
    %mul3A_1542 = arith.muli %and3A_1539, %mul3A_1541 : vector<128x1xi32>
    %add3A_1543 = arith.addi %mul3A_1542, %broadcast_in_dim3A_1533 : vector<128x1xi32>
    %broadcast_in_dim3A_1544 = vector.shape_cast %add3A_1543 : vector<128x1xi32> to vector<128x1xi32>
    %broadcast_in_dim3A_1545 = vector.broadcast %broadcast_in_dim3A_1544 : vector<128x1xi32> to vector<128x16xi32>
    %select_n3A_1546 = arith.select %eq3A_1536, %broadcast_in_dim3A_1545, %select_n3A_1499 : vector<128x16xi1>, vector<128x16xi32>
    %gt3A_1547 = vector.broadcast %broadcast_in_dim3A_1525 : vector<128x1xi32> to vector<128x128xi32>
    %gt3A_1548 = arith.cmpi sgt, %min3A_976, %gt3A_1547 : vector<128x128xi32>
    %jit3A_1549 = arith.constant 2147483647 : i32
    %broadcast_in_dim3A_1550 = vector.broadcast %jit3A_1549 : i32 to vector<128x128xi32>
    %select_n3A_1551 = arith.select %gt3A_1548, %min3A_976, %broadcast_in_dim3A_1550 : vector<128x128xi1>, vector<128x128xi32>
    %gt3A_1552 = vector.broadcast %broadcast_in_dim3A_1525 : vector<128x1xi32> to vector<128x128xi32>
    %gt3A_1553 = arith.cmpi sgt, %min3A_978, %gt3A_1552 : vector<128x128xi32>
    %jit3A_1554 = arith.constant 2147483647 : i32
    %broadcast_in_dim3A_1555 = vector.broadcast %jit3A_1554 : i32 to vector<128x128xi32>
    %select_n3A_1556 = arith.select %gt3A_1553, %min3A_978, %broadcast_in_dim3A_1555 : vector<128x128xi1>, vector<128x128xi32>
    %gt3A_1557 = vector.broadcast %broadcast_in_dim3A_1525 : vector<128x1xi32> to vector<128x128xi32>
    %gt3A_1558 = arith.cmpi sgt, %min3A_980, %gt3A_1557 : vector<128x128xi32>
    %jit3A_1559 = arith.constant 2147483647 : i32
    %broadcast_in_dim3A_1560 = vector.broadcast %jit3A_1559 : i32 to vector<128x128xi32>
    %select_n3A_1561 = arith.select %gt3A_1558, %min3A_980, %broadcast_in_dim3A_1560 : vector<128x128xi1>, vector<128x128xi32>
    %gt3A_1562 = vector.broadcast %broadcast_in_dim3A_1525 : vector<128x1xi32> to vector<128x128xi32>
    %gt3A_1563 = arith.cmpi sgt, %min3A_982, %gt3A_1562 : vector<128x128xi32>
    %jit3A_1564 = arith.constant 2147483647 : i32
    %broadcast_in_dim3A_1565 = vector.broadcast %jit3A_1564 : i32 to vector<128x128xi32>
    %select_n3A_1566 = arith.select %gt3A_1563, %min3A_982, %broadcast_in_dim3A_1565 : vector<128x128xi1>, vector<128x128xi32>
    %min3A_1567 = arith.minsi %select_n3A_1551, %select_n3A_1556 : vector<128x128xi32>
    %min3A_1568 = arith.minsi %select_n3A_1561, %select_n3A_1566 : vector<128x128xi32>
    %min3A_1569 = arith.minsi %min3A_1567, %min3A_1568 : vector<128x128xi32>
    %reduce_min3A_1570 = arith.constant dense<2147483647> : vector<128xi32>
    %reduce_min3A_1571 = vector.multi_reduction <minsi>, %min3A_1569, %reduce_min3A_1570 [1] : vector<128x128xi32> to vector<128xi32>
    %broadcast_in_dim3A_1572 = vector.shape_cast %reduce_min3A_1571 : vector<128xi32> to vector<128x1xi32>
    %eq3A_1573 = vector.broadcast %broadcast_in_dim3A_1572 : vector<128x1xi32> to vector<128x128xi32>
    %eq3A_1574 = arith.cmpi eq, %min3A_1569, %eq3A_1573 : vector<128x128xi32>
    %jit3A_1575 = arith.constant 8192 : i32
    %broadcast_in_dim3A_1576 = vector.broadcast %jit3A_1575 : i32 to vector<128x128xi32>
    %select_n3A_1577 = arith.select %eq3A_1574, %iota3A, %broadcast_in_dim3A_1576 : vector<128x128xi1>, vector<128x128xi32>
    %reduce_min3A_1578 = arith.constant dense<2147483647> : vector<128xi32>
    %reduce_min3A_1579 = vector.multi_reduction <minsi>, %select_n3A_1577, %reduce_min3A_1578 [1] : vector<128x128xi32> to vector<128xi32>
    %broadcast_in_dim3A_1580 = vector.shape_cast %reduce_min3A_1579 : vector<128xi32> to vector<128x1xi32>
    %eq3A_1581 = arith.constant 12 : i32
    %eq3A_1582 = vector.broadcast %eq3A_1581 : i32 to vector<128x16xi32>
    %eq3A_1583 = arith.cmpi eq, %iota3A_983, %eq3A_1582 : vector<128x16xi32>
    %and3A_1584 = arith.constant 63 : i32
    %and3A_1585 = vector.broadcast %and3A_1584 : i32 to vector<128x1xi32>
    %and3A_1586 = arith.andi %broadcast_in_dim3A_1572, %and3A_1585 : vector<128x1xi32>
    %mul3A_1587 = arith.constant 128 : i32
    %mul3A_1588 = vector.broadcast %mul3A_1587 : i32 to vector<128x1xi32>
    %mul3A_1589 = arith.muli %and3A_1586, %mul3A_1588 : vector<128x1xi32>
    %add3A_1590 = arith.addi %mul3A_1589, %broadcast_in_dim3A_1580 : vector<128x1xi32>
    %broadcast_in_dim3A_1591 = vector.shape_cast %add3A_1590 : vector<128x1xi32> to vector<128x1xi32>
    %broadcast_in_dim3A_1592 = vector.broadcast %broadcast_in_dim3A_1591 : vector<128x1xi32> to vector<128x16xi32>
    %select_n3A_1593 = arith.select %eq3A_1583, %broadcast_in_dim3A_1592, %select_n3A_1546 : vector<128x16xi1>, vector<128x16xi32>
    %gt3A_1594 = vector.broadcast %broadcast_in_dim3A_1572 : vector<128x1xi32> to vector<128x128xi32>
    %gt3A_1595 = arith.cmpi sgt, %min3A_976, %gt3A_1594 : vector<128x128xi32>
    %jit3A_1596 = arith.constant 2147483647 : i32
    %broadcast_in_dim3A_1597 = vector.broadcast %jit3A_1596 : i32 to vector<128x128xi32>
    %select_n3A_1598 = arith.select %gt3A_1595, %min3A_976, %broadcast_in_dim3A_1597 : vector<128x128xi1>, vector<128x128xi32>
    %gt3A_1599 = vector.broadcast %broadcast_in_dim3A_1572 : vector<128x1xi32> to vector<128x128xi32>
    %gt3A_1600 = arith.cmpi sgt, %min3A_978, %gt3A_1599 : vector<128x128xi32>
    %jit3A_1601 = arith.constant 2147483647 : i32
    %broadcast_in_dim3A_1602 = vector.broadcast %jit3A_1601 : i32 to vector<128x128xi32>
    %select_n3A_1603 = arith.select %gt3A_1600, %min3A_978, %broadcast_in_dim3A_1602 : vector<128x128xi1>, vector<128x128xi32>
    %gt3A_1604 = vector.broadcast %broadcast_in_dim3A_1572 : vector<128x1xi32> to vector<128x128xi32>
    %gt3A_1605 = arith.cmpi sgt, %min3A_980, %gt3A_1604 : vector<128x128xi32>
    %jit3A_1606 = arith.constant 2147483647 : i32
    %broadcast_in_dim3A_1607 = vector.broadcast %jit3A_1606 : i32 to vector<128x128xi32>
    %select_n3A_1608 = arith.select %gt3A_1605, %min3A_980, %broadcast_in_dim3A_1607 : vector<128x128xi1>, vector<128x128xi32>
    %gt3A_1609 = vector.broadcast %broadcast_in_dim3A_1572 : vector<128x1xi32> to vector<128x128xi32>
    %gt3A_1610 = arith.cmpi sgt, %min3A_982, %gt3A_1609 : vector<128x128xi32>
    %jit3A_1611 = arith.constant 2147483647 : i32
    %broadcast_in_dim3A_1612 = vector.broadcast %jit3A_1611 : i32 to vector<128x128xi32>
    %select_n3A_1613 = arith.select %gt3A_1610, %min3A_982, %broadcast_in_dim3A_1612 : vector<128x128xi1>, vector<128x128xi32>
    %min3A_1614 = arith.minsi %select_n3A_1598, %select_n3A_1603 : vector<128x128xi32>
    %min3A_1615 = arith.minsi %select_n3A_1608, %select_n3A_1613 : vector<128x128xi32>
    %min3A_1616 = arith.minsi %min3A_1614, %min3A_1615 : vector<128x128xi32>
    %reduce_min3A_1617 = arith.constant dense<2147483647> : vector<128xi32>
    %reduce_min3A_1618 = vector.multi_reduction <minsi>, %min3A_1616, %reduce_min3A_1617 [1] : vector<128x128xi32> to vector<128xi32>
    %broadcast_in_dim3A_1619 = vector.shape_cast %reduce_min3A_1618 : vector<128xi32> to vector<128x1xi32>
    %eq3A_1620 = vector.broadcast %broadcast_in_dim3A_1619 : vector<128x1xi32> to vector<128x128xi32>
    %eq3A_1621 = arith.cmpi eq, %min3A_1616, %eq3A_1620 : vector<128x128xi32>
    %jit3A_1622 = arith.constant 8192 : i32
    %broadcast_in_dim3A_1623 = vector.broadcast %jit3A_1622 : i32 to vector<128x128xi32>
    %select_n3A_1624 = arith.select %eq3A_1621, %iota3A, %broadcast_in_dim3A_1623 : vector<128x128xi1>, vector<128x128xi32>
    %reduce_min3A_1625 = arith.constant dense<2147483647> : vector<128xi32>
    %reduce_min3A_1626 = vector.multi_reduction <minsi>, %select_n3A_1624, %reduce_min3A_1625 [1] : vector<128x128xi32> to vector<128xi32>
    %broadcast_in_dim3A_1627 = vector.shape_cast %reduce_min3A_1626 : vector<128xi32> to vector<128x1xi32>
    %eq3A_1628 = arith.constant 13 : i32
    %eq3A_1629 = vector.broadcast %eq3A_1628 : i32 to vector<128x16xi32>
    %eq3A_1630 = arith.cmpi eq, %iota3A_983, %eq3A_1629 : vector<128x16xi32>
    %and3A_1631 = arith.constant 63 : i32
    %and3A_1632 = vector.broadcast %and3A_1631 : i32 to vector<128x1xi32>
    %and3A_1633 = arith.andi %broadcast_in_dim3A_1619, %and3A_1632 : vector<128x1xi32>
    %mul3A_1634 = arith.constant 128 : i32
    %mul3A_1635 = vector.broadcast %mul3A_1634 : i32 to vector<128x1xi32>
    %mul3A_1636 = arith.muli %and3A_1633, %mul3A_1635 : vector<128x1xi32>
    %add3A_1637 = arith.addi %mul3A_1636, %broadcast_in_dim3A_1627 : vector<128x1xi32>
    %broadcast_in_dim3A_1638 = vector.shape_cast %add3A_1637 : vector<128x1xi32> to vector<128x1xi32>
    %broadcast_in_dim3A_1639 = vector.broadcast %broadcast_in_dim3A_1638 : vector<128x1xi32> to vector<128x16xi32>
    %select_n3A_1640 = arith.select %eq3A_1630, %broadcast_in_dim3A_1639, %select_n3A_1593 : vector<128x16xi1>, vector<128x16xi32>
    %gt3A_1641 = vector.broadcast %broadcast_in_dim3A_1619 : vector<128x1xi32> to vector<128x128xi32>
    %gt3A_1642 = arith.cmpi sgt, %min3A_976, %gt3A_1641 : vector<128x128xi32>
    %jit3A_1643 = arith.constant 2147483647 : i32
    %broadcast_in_dim3A_1644 = vector.broadcast %jit3A_1643 : i32 to vector<128x128xi32>
    %select_n3A_1645 = arith.select %gt3A_1642, %min3A_976, %broadcast_in_dim3A_1644 : vector<128x128xi1>, vector<128x128xi32>
    %gt3A_1646 = vector.broadcast %broadcast_in_dim3A_1619 : vector<128x1xi32> to vector<128x128xi32>
    %gt3A_1647 = arith.cmpi sgt, %min3A_978, %gt3A_1646 : vector<128x128xi32>
    %jit3A_1648 = arith.constant 2147483647 : i32
    %broadcast_in_dim3A_1649 = vector.broadcast %jit3A_1648 : i32 to vector<128x128xi32>
    %select_n3A_1650 = arith.select %gt3A_1647, %min3A_978, %broadcast_in_dim3A_1649 : vector<128x128xi1>, vector<128x128xi32>
    %gt3A_1651 = vector.broadcast %broadcast_in_dim3A_1619 : vector<128x1xi32> to vector<128x128xi32>
    %gt3A_1652 = arith.cmpi sgt, %min3A_980, %gt3A_1651 : vector<128x128xi32>
    %jit3A_1653 = arith.constant 2147483647 : i32
    %broadcast_in_dim3A_1654 = vector.broadcast %jit3A_1653 : i32 to vector<128x128xi32>
    %select_n3A_1655 = arith.select %gt3A_1652, %min3A_980, %broadcast_in_dim3A_1654 : vector<128x128xi1>, vector<128x128xi32>
    %gt3A_1656 = vector.broadcast %broadcast_in_dim3A_1619 : vector<128x1xi32> to vector<128x128xi32>
    %gt3A_1657 = arith.cmpi sgt, %min3A_982, %gt3A_1656 : vector<128x128xi32>
    %jit3A_1658 = arith.constant 2147483647 : i32
    %broadcast_in_dim3A_1659 = vector.broadcast %jit3A_1658 : i32 to vector<128x128xi32>
    %select_n3A_1660 = arith.select %gt3A_1657, %min3A_982, %broadcast_in_dim3A_1659 : vector<128x128xi1>, vector<128x128xi32>
    %min3A_1661 = arith.minsi %select_n3A_1645, %select_n3A_1650 : vector<128x128xi32>
    %min3A_1662 = arith.minsi %select_n3A_1655, %select_n3A_1660 : vector<128x128xi32>
    %min3A_1663 = arith.minsi %min3A_1661, %min3A_1662 : vector<128x128xi32>
    %reduce_min3A_1664 = arith.constant dense<2147483647> : vector<128xi32>
    %reduce_min3A_1665 = vector.multi_reduction <minsi>, %min3A_1663, %reduce_min3A_1664 [1] : vector<128x128xi32> to vector<128xi32>
    %broadcast_in_dim3A_1666 = vector.shape_cast %reduce_min3A_1665 : vector<128xi32> to vector<128x1xi32>
    %eq3A_1667 = vector.broadcast %broadcast_in_dim3A_1666 : vector<128x1xi32> to vector<128x128xi32>
    %eq3A_1668 = arith.cmpi eq, %min3A_1663, %eq3A_1667 : vector<128x128xi32>
    %jit3A_1669 = arith.constant 8192 : i32
    %broadcast_in_dim3A_1670 = vector.broadcast %jit3A_1669 : i32 to vector<128x128xi32>
    %select_n3A_1671 = arith.select %eq3A_1668, %iota3A, %broadcast_in_dim3A_1670 : vector<128x128xi1>, vector<128x128xi32>
    %reduce_min3A_1672 = arith.constant dense<2147483647> : vector<128xi32>
    %reduce_min3A_1673 = vector.multi_reduction <minsi>, %select_n3A_1671, %reduce_min3A_1672 [1] : vector<128x128xi32> to vector<128xi32>
    %broadcast_in_dim3A_1674 = vector.shape_cast %reduce_min3A_1673 : vector<128xi32> to vector<128x1xi32>
    %eq3A_1675 = arith.constant 14 : i32
    %eq3A_1676 = vector.broadcast %eq3A_1675 : i32 to vector<128x16xi32>
    %eq3A_1677 = arith.cmpi eq, %iota3A_983, %eq3A_1676 : vector<128x16xi32>
    %and3A_1678 = arith.constant 63 : i32
    %and3A_1679 = vector.broadcast %and3A_1678 : i32 to vector<128x1xi32>
    %and3A_1680 = arith.andi %broadcast_in_dim3A_1666, %and3A_1679 : vector<128x1xi32>
    %mul3A_1681 = arith.constant 128 : i32
    %mul3A_1682 = vector.broadcast %mul3A_1681 : i32 to vector<128x1xi32>
    %mul3A_1683 = arith.muli %and3A_1680, %mul3A_1682 : vector<128x1xi32>
    %add3A_1684 = arith.addi %mul3A_1683, %broadcast_in_dim3A_1674 : vector<128x1xi32>
    %broadcast_in_dim3A_1685 = vector.shape_cast %add3A_1684 : vector<128x1xi32> to vector<128x1xi32>
    %broadcast_in_dim3A_1686 = vector.broadcast %broadcast_in_dim3A_1685 : vector<128x1xi32> to vector<128x16xi32>
    %select_n3A_1687 = arith.select %eq3A_1677, %broadcast_in_dim3A_1686, %select_n3A_1640 : vector<128x16xi1>, vector<128x16xi32>
    %gt3A_1688 = vector.broadcast %broadcast_in_dim3A_1666 : vector<128x1xi32> to vector<128x128xi32>
    %gt3A_1689 = arith.cmpi sgt, %min3A_976, %gt3A_1688 : vector<128x128xi32>
    %jit3A_1690 = arith.constant 2147483647 : i32
    %broadcast_in_dim3A_1691 = vector.broadcast %jit3A_1690 : i32 to vector<128x128xi32>
    %select_n3A_1692 = arith.select %gt3A_1689, %min3A_976, %broadcast_in_dim3A_1691 : vector<128x128xi1>, vector<128x128xi32>
    %gt3A_1693 = vector.broadcast %broadcast_in_dim3A_1666 : vector<128x1xi32> to vector<128x128xi32>
    %gt3A_1694 = arith.cmpi sgt, %min3A_978, %gt3A_1693 : vector<128x128xi32>
    %jit3A_1695 = arith.constant 2147483647 : i32
    %broadcast_in_dim3A_1696 = vector.broadcast %jit3A_1695 : i32 to vector<128x128xi32>
    %select_n3A_1697 = arith.select %gt3A_1694, %min3A_978, %broadcast_in_dim3A_1696 : vector<128x128xi1>, vector<128x128xi32>
    %gt3A_1698 = vector.broadcast %broadcast_in_dim3A_1666 : vector<128x1xi32> to vector<128x128xi32>
    %gt3A_1699 = arith.cmpi sgt, %min3A_980, %gt3A_1698 : vector<128x128xi32>
    %jit3A_1700 = arith.constant 2147483647 : i32
    %broadcast_in_dim3A_1701 = vector.broadcast %jit3A_1700 : i32 to vector<128x128xi32>
    %select_n3A_1702 = arith.select %gt3A_1699, %min3A_980, %broadcast_in_dim3A_1701 : vector<128x128xi1>, vector<128x128xi32>
    %gt3A_1703 = vector.broadcast %broadcast_in_dim3A_1666 : vector<128x1xi32> to vector<128x128xi32>
    %gt3A_1704 = arith.cmpi sgt, %min3A_982, %gt3A_1703 : vector<128x128xi32>
    %jit3A_1705 = arith.constant 2147483647 : i32
    %broadcast_in_dim3A_1706 = vector.broadcast %jit3A_1705 : i32 to vector<128x128xi32>
    %select_n3A_1707 = arith.select %gt3A_1704, %min3A_982, %broadcast_in_dim3A_1706 : vector<128x128xi1>, vector<128x128xi32>
    %min3A_1708 = arith.minsi %select_n3A_1692, %select_n3A_1697 : vector<128x128xi32>
    %min3A_1709 = arith.minsi %select_n3A_1702, %select_n3A_1707 : vector<128x128xi32>
    %min3A_1710 = arith.minsi %min3A_1708, %min3A_1709 : vector<128x128xi32>
    %reduce_min3A_1711 = arith.constant dense<2147483647> : vector<128xi32>
    %reduce_min3A_1712 = vector.multi_reduction <minsi>, %min3A_1710, %reduce_min3A_1711 [1] : vector<128x128xi32> to vector<128xi32>
    %broadcast_in_dim3A_1713 = vector.shape_cast %reduce_min3A_1712 : vector<128xi32> to vector<128x1xi32>
    %eq3A_1714 = vector.broadcast %broadcast_in_dim3A_1713 : vector<128x1xi32> to vector<128x128xi32>
    %eq3A_1715 = arith.cmpi eq, %min3A_1710, %eq3A_1714 : vector<128x128xi32>
    %jit3A_1716 = arith.constant 8192 : i32
    %broadcast_in_dim3A_1717 = vector.broadcast %jit3A_1716 : i32 to vector<128x128xi32>
    %select_n3A_1718 = arith.select %eq3A_1715, %iota3A, %broadcast_in_dim3A_1717 : vector<128x128xi1>, vector<128x128xi32>
    %reduce_min3A_1719 = arith.constant dense<2147483647> : vector<128xi32>
    %reduce_min3A_1720 = vector.multi_reduction <minsi>, %select_n3A_1718, %reduce_min3A_1719 [1] : vector<128x128xi32> to vector<128xi32>
    %broadcast_in_dim3A_1721 = vector.shape_cast %reduce_min3A_1720 : vector<128xi32> to vector<128x1xi32>
    %eq3A_1722 = arith.constant 15 : i32
    %eq3A_1723 = vector.broadcast %eq3A_1722 : i32 to vector<128x16xi32>
    %eq3A_1724 = arith.cmpi eq, %iota3A_983, %eq3A_1723 : vector<128x16xi32>
    %and3A_1725 = arith.constant 63 : i32
    %and3A_1726 = vector.broadcast %and3A_1725 : i32 to vector<128x1xi32>
    %and3A_1727 = arith.andi %broadcast_in_dim3A_1713, %and3A_1726 : vector<128x1xi32>
    %mul3A_1728 = arith.constant 128 : i32
    %mul3A_1729 = vector.broadcast %mul3A_1728 : i32 to vector<128x1xi32>
    %mul3A_1730 = arith.muli %and3A_1727, %mul3A_1729 : vector<128x1xi32>
    %add3A_1731 = arith.addi %mul3A_1730, %broadcast_in_dim3A_1721 : vector<128x1xi32>
    %broadcast_in_dim3A_1732 = vector.shape_cast %add3A_1731 : vector<128x1xi32> to vector<128x1xi32>
    %broadcast_in_dim3A_1733 = vector.broadcast %broadcast_in_dim3A_1732 : vector<128x1xi32> to vector<128x16xi32>
    %select_n3A_1734 = arith.select %eq3A_1724, %broadcast_in_dim3A_1733, %select_n3A_1687 : vector<128x16xi1>, vector<128x16xi32>
    %mul3A_1735 = arith.constant 8192 : i32
    %mul3A_1736 = arith.muli %arg0, %mul3A_1735 : i32
    %add3A_1737 = vector.broadcast %mul3A_1736 : i32 to vector<128x16xi32>
    %add3A_1738 = arith.addi %select_n3A_1734, %add3A_1737 : vector<128x16xi32>
    %swap3A = arith.constant 0 : index
    %swap3A_1739 = arith.constant 0 : index
    %swap3A_1740 = arith.constant 0 : index
    %swap3A_1741 = vector.load %arg4[%swap3A, %swap3A_1739, %swap3A_1740] : memref<1x128x16xi32, #tpu.memory_space<vmem>>, vector<1x128x16xi32>
    %swap3A_1742 = vector.shape_cast %swap3A_1741 : vector<1x128x16xi32> to vector<128x16xi32>
    %swap3A_1743 = vector.shape_cast %add3A_1738 : vector<128x16xi32> to vector<1x128x16xi32>
    tpu.vector_store %arg4[%swap3A, %swap3A_1739, %swap3A_1740], %swap3A_1743 {strides = array<i32>} : memref<1x128x16xi32, #tpu.memory_space<vmem>>, vector<1x128x16xi32>,
    return
  }
  func.func @transform_0(%arg0: i32, %arg1: i32) -> (i32, i32, i32) {
    %c0_i32 = arith.constant 0 : i32
    %c0_i32_0 = arith.constant 0 : i32
    %c0_i32_1 = arith.constant 0 : i32
    return %arg0, %c0_i32, %c0_i32_0 : i32, i32, i32
  }
  func.func @transform_1(%arg0: i32, %arg1: i32) -> (i32, i32, i32) {
    %c0_i32 = arith.constant 0 : i32
    %c0_i32_0 = arith.constant 0 : i32
    return %arg0, %c0_i32, %arg1 : i32, i32, i32
  }
  func.func @transform_2(%arg0: i32, %arg1: i32) -> (i32, i32, i32) {
    %c0_i32 = arith.constant 0 : i32
    %c0_i32_0 = arith.constant 0 : i32
    return %arg0, %arg1, %c0_i32 : i32, i32, i32
  }
}

module attributes {stable_mosaic.version = 14 : i64} {
  func.func @_passA_body(%arg0: i32, %arg1: memref<2048x48xf32, #tpu.memory_space<vmem>>, %arg2: memref<128x3xf32, #tpu.memory_space<vmem>>, %arg3: memref<48x64xf32, #tpu.memory_space<vmem>>, %arg4: memref<3x64xf32, #tpu.memory_space<vmem>>, %arg5: memref<1x64xf32, #tpu.memory_space<vmem>>, %arg6: memref<2048x64xf32, #tpu.memory_space<vmem>>, %arg7: memref<1x64xf32, #tpu.memory_space<vmem>>, %arg8: memref<1x64xf32, #tpu.memory_space<vmem>>) attributes {dimension_semantics = [#tpu.dimension_semantics<arbitrary>], iteration_bounds = array<i64: 64>, scalar_prefetch = 0 : i64, scratch_operands = 0 : i64, tpu.core_type = #tpu.core_type<tc>, window_params = [{transform_indices = @transform_0, window_bounds = array<i64: 2048, 48>}, {transform_indices = @transform_1, window_bounds = array<i64: 128, 3>}, {pipeline_mode = #tpu.pipeline_mode<synchronous>, transform_indices = @transform_2, window_bounds = array<i64: 48, 64>}, {pipeline_mode = #tpu.pipeline_mode<synchronous>, transform_indices = @transform_3, window_bounds = array<i64: 3, 64>}, {pipeline_mode = #tpu.pipeline_mode<synchronous>, transform_indices = @transform_4, window_bounds = array<i64: 1, 64>}, {transform_indices = @transform_5, window_bounds = array<i64: 2048, 64>}, {pipeline_mode = #tpu.pipeline_mode<synchronous>, transform_indices = @transform_6, window_bounds = array<i64: 1, 64>}, {pipeline_mode = #tpu.pipeline_mode<synchronous>, transform_indices = @transform_7, window_bounds = array<i64: 1, 64>}]} {
    %get3A = arith.constant 0 : index
    %get3A_0 = arith.constant 0 : index
    %get3A_1 = vector.load %arg1[%get3A, %get3A_0] : memref<2048x48xf32, #tpu.memory_space<vmem>>, vector<2048x48xf32>
    %get3A_2 = arith.constant 0 : index
    %get3A_3 = arith.constant 0 : index
    %get3A_4 = vector.load %arg2[%get3A_2, %get3A_3] : memref<128x3xf32, #tpu.memory_space<vmem>>, vector<128x3xf32>
    %get3A_5 = arith.constant 0 : index
    %get3A_6 = arith.constant 0 : index
    %get3A_7 = vector.load %arg4[%get3A_5, %get3A_6] : memref<3x64xf32, #tpu.memory_space<vmem>>, vector<3x64xf32>
    %dot_general3A = arith.constant dense<0.000000e+00> : vector<128x64xf32>
    %dot_general3A_8 = tpu.matmul %get3A_4, %get3A_7, %dot_general3A {dimension_numbers = #tpu.dot_dimension_numbers<[1], [0], [0], [1], [0, 0, 1, 1], [], []>, transpose_lhs_hint = false} : vector<128x3xf32>, vector<3x64xf32>, vector<128x64xf32> -> vector<128x64xf32>
    %iota3A = tpu.iota {dimensions = array<i32: 0>} : vector<2048x128xi32>
    %iota3A_9 = tpu.iota {dimensions = array<i32: 1>} : vector<2048x128xi32>
    %jit3A = arith.constant 16 : i32
    %div3A = vector.broadcast %jit3A : i32 to vector<2048x128xi32>
    %div3A_10 = arith.divsi %iota3A, %div3A : vector<2048x128xi32>
    %sign3A = arith.constant 0 : i32
    %sign3A_11 = vector.broadcast %sign3A : i32 to vector<2048x128xi32>
    %sign3A_12 = arith.cmpi sgt, %iota3A, %sign3A_11 : vector<2048x128xi32>
    %sign3A_13 = arith.extui %sign3A_12 : vector<2048x128xi1> to vector<2048x128xi32>
    %sign3A_14 = arith.constant 0 : i32
    %sign3A_15 = vector.broadcast %sign3A_14 : i32 to vector<2048x128xi32>
    %sign3A_16 = arith.cmpi slt, %iota3A, %sign3A_15 : vector<2048x128xi32>
    %sign3A_17 = arith.extui %sign3A_16 : vector<2048x128xi1> to vector<2048x128xi32>
    %sign3A_18 = arith.subi %sign3A_13, %sign3A_17 : vector<2048x128xi32>
    %sign3A_19 = arith.constant 0 : i32
    %sign3A_20 = arith.cmpi sgt, %jit3A, %sign3A_19 : i32
    %sign3A_21 = arith.extui %sign3A_20 : i1 to i32
    %sign3A_22 = arith.constant 0 : i32
    %sign3A_23 = arith.cmpi slt, %jit3A, %sign3A_22 : i32
    %sign3A_24 = arith.extui %sign3A_23 : i1 to i32
    %sign3A_25 = arith.subi %sign3A_21, %sign3A_24 : i32
    %ne3A = vector.broadcast %sign3A_25 : i32 to vector<2048x128xi32>
    %ne3A_26 = arith.cmpi ne, %sign3A_18, %ne3A : vector<2048x128xi32>
    %rem3A = vector.broadcast %jit3A : i32 to vector<2048x128xi32>
    %rem3A_27 = arith.remsi %iota3A, %rem3A : vector<2048x128xi32>
    %ne3A_28 = arith.constant 0 : i32
    %ne3A_29 = vector.broadcast %ne3A_28 : i32 to vector<2048x128xi32>
    %ne3A_30 = arith.cmpi ne, %rem3A_27, %ne3A_29 : vector<2048x128xi32>
    %and3A = arith.andi %ne3A_26, %ne3A_30 : vector<2048x128xi1>
    %sub3A = arith.constant 1 : i32
    %sub3A_31 = vector.broadcast %sub3A : i32 to vector<2048x128xi32>
    %sub3A_32 = arith.subi %div3A_10, %sub3A_31 : vector<2048x128xi32>
    %select_n3A = arith.select %and3A, %sub3A_32, %div3A_10 : vector<2048x128xi1>, vector<2048x128xi32>
    %eq3A = arith.cmpi eq, %select_n3A, %iota3A_9 : vector<2048x128xi32>
    %jit3A_33 = arith.constant 1.000000e+00 : f32
    %jit3A_34 = arith.constant 0.000000e+00 : f32
    %broadcast_in_dim3A = vector.broadcast %jit3A_33 : f32 to vector<2048x128xf32>
    %broadcast_in_dim3A_35 = vector.broadcast %jit3A_34 : f32 to vector<2048x128xf32>
    %select_n3A_36 = arith.select %eq3A, %broadcast_in_dim3A, %broadcast_in_dim3A_35 : vector<2048x128xi1>, vector<2048x128xf32>
    %dot_general3A_37 = arith.constant dense<0.000000e+00> : vector<2048x64xf32>
    %dot_general3A_38 = tpu.matmul %select_n3A_36, %dot_general3A_8, %dot_general3A_37 {dimension_numbers = #tpu.dot_dimension_numbers<[1], [0], [0], [1], [0, 0, 1, 1], [], []>, transpose_lhs_hint = false} : vector<2048x128xf32>, vector<128x64xf32>, vector<2048x64xf32> -> vector<2048x64xf32>
    %get3A_39 = arith.constant 0 : index
    %get3A_40 = arith.constant 0 : index
    %get3A_41 = vector.load %arg3[%get3A_39, %get3A_40] : memref<48x64xf32, #tpu.memory_space<vmem>>, vector<48x64xf32>
    %dot_general3A_42 = arith.constant dense<0.000000e+00> : vector<2048x64xf32>
    %dot_general3A_43 = tpu.matmul %get3A_1, %get3A_41, %dot_general3A_42 {dimension_numbers = #tpu.dot_dimension_numbers<[1], [0], [0], [1], [0, 0, 1, 1], [], []>, transpose_lhs_hint = false} : vector<2048x48xf32>, vector<48x64xf32>, vector<2048x64xf32> -> vector<2048x64xf32>
    %sub3A_44 = arith.subf %dot_general3A_43, %dot_general3A_38 : vector<2048x64xf32>
    %get3A_45 = arith.constant 0 : index
    %get3A_46 = arith.constant 0 : index
    %get3A_47 = vector.load %arg5[%get3A_45, %get3A_46] : memref<1x64xf32, #tpu.memory_space<vmem>>, vector<1x64xf32>
    %add3A = vector.broadcast %get3A_47 : vector<1x64xf32> to vector<2048x64xf32>
    %add3A_48 = arith.addf %sub3A_44, %add3A : vector<2048x64xf32>
    %swap3A = arith.constant 0 : index
    %swap3A_49 = arith.constant 0 : index
    %swap3A_50 = vector.load %arg6[%swap3A, %swap3A_49] : memref<2048x64xf32, #tpu.memory_space<vmem>>, vector<2048x64xf32>
    tpu.vector_store %arg6[%swap3A, %swap3A_49], %add3A_48 {strides = array<i32>} : memref<2048x64xf32, #tpu.memory_space<vmem>>, vector<2048x64xf32>,
    %eq3A_51 = arith.constant 0 : i32
    %eq3A_52 = arith.cmpi eq, %arg0, %eq3A_51 : i32
    %convert_element_type3A = arith.extui %eq3A_52 : i1 to i32
    %cond3A = arith.constant 0 : i32
    %cond3A_53 = arith.cmpi ne, %convert_element_type3A, %cond3A : i32
    scf.if %cond3A_53 {
      %broadcast_in_dim3A_73 = arith.constant 0.000000e+00 : f32
      %broadcast_in_dim3A_74 = vector.broadcast %broadcast_in_dim3A_73 : f32 to vector<1x64xf32>
      %swap3A_75 = arith.constant 0 : index
      %swap3A_76 = arith.constant 0 : index
      %swap3A_77 = vector.load %arg7[%swap3A_75, %swap3A_76] : memref<1x64xf32, #tpu.memory_space<vmem>>, vector<1x64xf32>
      tpu.vector_store %arg7[%swap3A_75, %swap3A_76], %broadcast_in_dim3A_74 {strides = array<i32>} : memref<1x64xf32, #tpu.memory_space<vmem>>, vector<1x64xf32>,
      %broadcast_in_dim3A_78 = arith.constant 0.000000e+00 : f32
      %broadcast_in_dim3A_79 = vector.broadcast %broadcast_in_dim3A_78 : f32 to vector<1x64xf32>
      %swap3A_80 = arith.constant 0 : index
      %swap3A_81 = arith.constant 0 : index
      %swap3A_82 = vector.load %arg8[%swap3A_80, %swap3A_81] : memref<1x64xf32, #tpu.memory_space<vmem>>, vector<1x64xf32>
      tpu.vector_store %arg8[%swap3A_80, %swap3A_81], %broadcast_in_dim3A_79 {strides = array<i32>} : memref<1x64xf32, #tpu.memory_space<vmem>>, vector<1x64xf32>,
    } else {
    }
    %get3A_54 = arith.constant 0 : index
    %get3A_55 = arith.constant 0 : index
    %get3A_56 = vector.load %arg7[%get3A_54, %get3A_55] : memref<1x64xf32, #tpu.memory_space<vmem>>, vector<1x64xf32>
    %reduce_sum3A = arith.constant dense<0.000000e+00> : vector<64xf32>
    %reduce_sum3A_57 = vector.multi_reduction <add>, %add3A_48, %reduce_sum3A [0] : vector<2048x64xf32> to vector<64xf32>
    %broadcast_in_dim3A_58 = vector.shape_cast %reduce_sum3A_57 : vector<64xf32> to vector<1x64xf32>
    %add3A_59 = arith.addf %get3A_56, %broadcast_in_dim3A_58 : vector<1x64xf32>
    %swap3A_60 = arith.constant 0 : index
    %swap3A_61 = arith.constant 0 : index
    %swap3A_62 = vector.load %arg7[%swap3A_60, %swap3A_61] : memref<1x64xf32, #tpu.memory_space<vmem>>, vector<1x64xf32>
    tpu.vector_store %arg7[%swap3A_60, %swap3A_61], %add3A_59 {strides = array<i32>} : memref<1x64xf32, #tpu.memory_space<vmem>>, vector<1x64xf32>,
    %get3A_63 = arith.constant 0 : index
    %get3A_64 = arith.constant 0 : index
    %get3A_65 = vector.load %arg8[%get3A_63, %get3A_64] : memref<1x64xf32, #tpu.memory_space<vmem>>, vector<1x64xf32>
    %mul3A = arith.mulf %add3A_48, %add3A_48 : vector<2048x64xf32>
    %reduce_sum3A_66 = arith.constant dense<0.000000e+00> : vector<64xf32>
    %reduce_sum3A_67 = vector.multi_reduction <add>, %mul3A, %reduce_sum3A_66 [0] : vector<2048x64xf32> to vector<64xf32>
    %broadcast_in_dim3A_68 = vector.shape_cast %reduce_sum3A_67 : vector<64xf32> to vector<1x64xf32>
    %add3A_69 = arith.addf %get3A_65, %broadcast_in_dim3A_68 : vector<1x64xf32>
    %swap3A_70 = arith.constant 0 : index
    %swap3A_71 = arith.constant 0 : index
    %swap3A_72 = vector.load %arg8[%swap3A_70, %swap3A_71] : memref<1x64xf32, #tpu.memory_space<vmem>>, vector<1x64xf32>
    tpu.vector_store %arg8[%swap3A_70, %swap3A_71], %add3A_69 {strides = array<i32>} : memref<1x64xf32, #tpu.memory_space<vmem>>, vector<1x64xf32>,
    return
  }
  func.func @transform_0(%arg0: i32) -> (i32, i32) {
    %c0_i32 = arith.constant 0 : i32
    %c0_i32_0 = arith.constant 0 : i32
    return %arg0, %c0_i32 : i32, i32
  }
  func.func @transform_1(%arg0: i32) -> (i32, i32) {
    %c0_i32 = arith.constant 0 : i32
    %c0_i32_0 = arith.constant 0 : i32
    return %arg0, %c0_i32 : i32, i32
  }
  func.func @transform_2(%arg0: i32) -> (i32, i32) {
    %c0_i32 = arith.constant 0 : i32
    %c0_i32_0 = arith.constant 0 : i32
    %c0_i32_1 = arith.constant 0 : i32
    return %c0_i32, %c0_i32_0 : i32, i32
  }
  func.func @transform_3(%arg0: i32) -> (i32, i32) {
    %c0_i32 = arith.constant 0 : i32
    %c0_i32_0 = arith.constant 0 : i32
    %c0_i32_1 = arith.constant 0 : i32
    return %c0_i32, %c0_i32_0 : i32, i32
  }
  func.func @transform_4(%arg0: i32) -> (i32, i32) {
    %c0_i32 = arith.constant 0 : i32
    %c0_i32_0 = arith.constant 0 : i32
    %c0_i32_1 = arith.constant 0 : i32
    return %c0_i32, %c0_i32_0 : i32, i32
  }
  func.func @transform_5(%arg0: i32) -> (i32, i32) {
    %c0_i32 = arith.constant 0 : i32
    %c0_i32_0 = arith.constant 0 : i32
    return %arg0, %c0_i32 : i32, i32
  }
  func.func @transform_6(%arg0: i32) -> (i32, i32) {
    %c0_i32 = arith.constant 0 : i32
    %c0_i32_0 = arith.constant 0 : i32
    %c0_i32_1 = arith.constant 0 : i32
    return %c0_i32, %c0_i32_0 : i32, i32
  }
  func.func @transform_7(%arg0: i32) -> (i32, i32) {
    %c0_i32 = arith.constant 0 : i32
    %c0_i32_0 = arith.constant 0 : i32
    %c0_i32_1 = arith.constant 0 : i32
    return %c0_i32, %c0_i32_0 : i32, i32
  }
}

module attributes {stable_mosaic.version = 14 : i64} {
  func.func @_passB_body(%arg0: i32, %arg1: memref<2048x64xf32, #tpu.memory_space<vmem>>, %arg2: memref<1x64xf32, #tpu.memory_space<vmem>>, %arg3: memref<1x64xf32, #tpu.memory_space<vmem>>, %arg4: memref<64x64xf32, #tpu.memory_space<vmem>>, %arg5: memref<1x64xf32, #tpu.memory_space<vmem>>, %arg6: memref<2048x64xf32, #tpu.memory_space<vmem>>, %arg7: memref<1x64xf32, #tpu.memory_space<vmem>>, %arg8: memref<1x64xf32, #tpu.memory_space<vmem>>) attributes {dimension_semantics = [#tpu.dimension_semantics<arbitrary>], iteration_bounds = array<i64: 64>, scalar_prefetch = 0 : i64, scratch_operands = 0 : i64, tpu.core_type = #tpu.core_type<tc>, window_params = [{transform_indices = @transform_0, window_bounds = array<i64: 2048, 64>}, {pipeline_mode = #tpu.pipeline_mode<synchronous>, transform_indices = @transform_1, window_bounds = array<i64: 1, 64>}, {pipeline_mode = #tpu.pipeline_mode<synchronous>, transform_indices = @transform_2, window_bounds = array<i64: 1, 64>}, {pipeline_mode = #tpu.pipeline_mode<synchronous>, transform_indices = @transform_3, window_bounds = array<i64: 64, 64>}, {pipeline_mode = #tpu.pipeline_mode<synchronous>, transform_indices = @transform_4, window_bounds = array<i64: 1, 64>}, {transform_indices = @transform_5, window_bounds = array<i64: 2048, 64>}, {pipeline_mode = #tpu.pipeline_mode<synchronous>, transform_indices = @transform_6, window_bounds = array<i64: 1, 64>}, {pipeline_mode = #tpu.pipeline_mode<synchronous>, transform_indices = @transform_7, window_bounds = array<i64: 1, 64>}]} {
    %get3A = arith.constant 0 : index
    %get3A_0 = arith.constant 0 : index
    %get3A_1 = vector.load %arg1[%get3A, %get3A_0] : memref<2048x64xf32, #tpu.memory_space<vmem>>, vector<2048x64xf32>
    %get3A_2 = arith.constant 0 : index
    %get3A_3 = arith.constant 0 : index
    %get3A_4 = vector.load %arg2[%get3A_2, %get3A_3] : memref<1x64xf32, #tpu.memory_space<vmem>>, vector<1x64xf32>
    %mul3A = vector.broadcast %get3A_4 : vector<1x64xf32> to vector<2048x64xf32>
    %mul3A_5 = arith.mulf %get3A_1, %mul3A : vector<2048x64xf32>
    %get3A_6 = arith.constant 0 : index
    %get3A_7 = arith.constant 0 : index
    %get3A_8 = vector.load %arg3[%get3A_6, %get3A_7] : memref<1x64xf32, #tpu.memory_space<vmem>>, vector<1x64xf32>
    %add3A = vector.broadcast %get3A_8 : vector<1x64xf32> to vector<2048x64xf32>
    %add3A_9 = arith.addf %mul3A_5, %add3A : vector<2048x64xf32>
    %max3A = arith.constant 0.000000e+00 : f32
    %max3A_10 = vector.broadcast %max3A : f32 to vector<2048x64xf32>
    %max3A_11 = arith.maximumf %add3A_9, %max3A_10 : vector<2048x64xf32>
    %get3A_12 = arith.constant 0 : index
    %get3A_13 = arith.constant 0 : index
    %get3A_14 = vector.load %arg4[%get3A_12, %get3A_13] : memref<64x64xf32, #tpu.memory_space<vmem>>, vector<64x64xf32>
    %dot_general3A = arith.constant dense<0.000000e+00> : vector<2048x64xf32>
    %dot_general3A_15 = tpu.matmul %max3A_11, %get3A_14, %dot_general3A {dimension_numbers = #tpu.dot_dimension_numbers<[1], [0], [0], [1], [0, 0, 1, 1], [], []>, transpose_lhs_hint = false} : vector<2048x64xf32>, vector<64x64xf32>, vector<2048x64xf32> -> vector<2048x64xf32>
    %get3A_16 = arith.constant 0 : index
    %get3A_17 = arith.constant 0 : index
    %get3A_18 = vector.load %arg5[%get3A_16, %get3A_17] : memref<1x64xf32, #tpu.memory_space<vmem>>, vector<1x64xf32>
    %add3A_19 = vector.broadcast %get3A_18 : vector<1x64xf32> to vector<2048x64xf32>
    %add3A_20 = arith.addf %dot_general3A_15, %add3A_19 : vector<2048x64xf32>
    %swap3A = arith.constant 0 : index
    %swap3A_21 = arith.constant 0 : index
    %swap3A_22 = vector.load %arg6[%swap3A, %swap3A_21] : memref<2048x64xf32, #tpu.memory_space<vmem>>, vector<2048x64xf32>
    tpu.vector_store %arg6[%swap3A, %swap3A_21], %add3A_20 {strides = array<i32>} : memref<2048x64xf32, #tpu.memory_space<vmem>>, vector<2048x64xf32>,
    %eq3A = arith.constant 0 : i32
    %eq3A_23 = arith.cmpi eq, %arg0, %eq3A : i32
    %convert_element_type3A = arith.extui %eq3A_23 : i1 to i32
    %cond3A = arith.constant 0 : i32
    %cond3A_24 = arith.cmpi ne, %convert_element_type3A, %cond3A : i32
    scf.if %cond3A_24 {
      %broadcast_in_dim3A_44 = arith.constant 0.000000e+00 : f32
      %broadcast_in_dim3A_45 = vector.broadcast %broadcast_in_dim3A_44 : f32 to vector<1x64xf32>
      %swap3A_46 = arith.constant 0 : index
      %swap3A_47 = arith.constant 0 : index
      %swap3A_48 = vector.load %arg7[%swap3A_46, %swap3A_47] : memref<1x64xf32, #tpu.memory_space<vmem>>, vector<1x64xf32>
      tpu.vector_store %arg7[%swap3A_46, %swap3A_47], %broadcast_in_dim3A_45 {strides = array<i32>} : memref<1x64xf32, #tpu.memory_space<vmem>>, vector<1x64xf32>,
      %broadcast_in_dim3A_49 = arith.constant 0.000000e+00 : f32
      %broadcast_in_dim3A_50 = vector.broadcast %broadcast_in_dim3A_49 : f32 to vector<1x64xf32>
      %swap3A_51 = arith.constant 0 : index
      %swap3A_52 = arith.constant 0 : index
      %swap3A_53 = vector.load %arg8[%swap3A_51, %swap3A_52] : memref<1x64xf32, #tpu.memory_space<vmem>>, vector<1x64xf32>
      tpu.vector_store %arg8[%swap3A_51, %swap3A_52], %broadcast_in_dim3A_50 {strides = array<i32>} : memref<1x64xf32, #tpu.memory_space<vmem>>, vector<1x64xf32>,
    } else {
    }
    %get3A_25 = arith.constant 0 : index
    %get3A_26 = arith.constant 0 : index
    %get3A_27 = vector.load %arg7[%get3A_25, %get3A_26] : memref<1x64xf32, #tpu.memory_space<vmem>>, vector<1x64xf32>
    %reduce_sum3A = arith.constant dense<0.000000e+00> : vector<64xf32>
    %reduce_sum3A_28 = vector.multi_reduction <add>, %add3A_20, %reduce_sum3A [0] : vector<2048x64xf32> to vector<64xf32>
    %broadcast_in_dim3A = vector.shape_cast %reduce_sum3A_28 : vector<64xf32> to vector<1x64xf32>
    %add3A_29 = arith.addf %get3A_27, %broadcast_in_dim3A : vector<1x64xf32>
    %swap3A_30 = arith.constant 0 : index
    %swap3A_31 = arith.constant 0 : index
    %swap3A_32 = vector.load %arg7[%swap3A_30, %swap3A_31] : memref<1x64xf32, #tpu.memory_space<vmem>>, vector<1x64xf32>
    tpu.vector_store %arg7[%swap3A_30, %swap3A_31], %add3A_29 {strides = array<i32>} : memref<1x64xf32, #tpu.memory_space<vmem>>, vector<1x64xf32>,
    %get3A_33 = arith.constant 0 : index
    %get3A_34 = arith.constant 0 : index
    %get3A_35 = vector.load %arg8[%get3A_33, %get3A_34] : memref<1x64xf32, #tpu.memory_space<vmem>>, vector<1x64xf32>
    %mul3A_36 = arith.mulf %add3A_20, %add3A_20 : vector<2048x64xf32>
    %reduce_sum3A_37 = arith.constant dense<0.000000e+00> : vector<64xf32>
    %reduce_sum3A_38 = vector.multi_reduction <add>, %mul3A_36, %reduce_sum3A_37 [0] : vector<2048x64xf32> to vector<64xf32>
    %broadcast_in_dim3A_39 = vector.shape_cast %reduce_sum3A_38 : vector<64xf32> to vector<1x64xf32>
    %add3A_40 = arith.addf %get3A_35, %broadcast_in_dim3A_39 : vector<1x64xf32>
    %swap3A_41 = arith.constant 0 : index
    %swap3A_42 = arith.constant 0 : index
    %swap3A_43 = vector.load %arg8[%swap3A_41, %swap3A_42] : memref<1x64xf32, #tpu.memory_space<vmem>>, vector<1x64xf32>
    tpu.vector_store %arg8[%swap3A_41, %swap3A_42], %add3A_40 {strides = array<i32>} : memref<1x64xf32, #tpu.memory_space<vmem>>, vector<1x64xf32>,
    return
  }
  func.func @transform_0(%arg0: i32) -> (i32, i32) {
    %c0_i32 = arith.constant 0 : i32
    %c0_i32_0 = arith.constant 0 : i32
    return %arg0, %c0_i32 : i32, i32
  }
  func.func @transform_1(%arg0: i32) -> (i32, i32) {
    %c0_i32 = arith.constant 0 : i32
    %c0_i32_0 = arith.constant 0 : i32
    %c0_i32_1 = arith.constant 0 : i32
    return %c0_i32, %c0_i32_0 : i32, i32
  }
  func.func @transform_2(%arg0: i32) -> (i32, i32) {
    %c0_i32 = arith.constant 0 : i32
    %c0_i32_0 = arith.constant 0 : i32
    %c0_i32_1 = arith.constant 0 : i32
    return %c0_i32, %c0_i32_0 : i32, i32
  }
  func.func @transform_3(%arg0: i32) -> (i32, i32) {
    %c0_i32 = arith.constant 0 : i32
    %c0_i32_0 = arith.constant 0 : i32
    %c0_i32_1 = arith.constant 0 : i32
    return %c0_i32, %c0_i32_0 : i32, i32
  }
  func.func @transform_4(%arg0: i32) -> (i32, i32) {
    %c0_i32 = arith.constant 0 : i32
    %c0_i32_0 = arith.constant 0 : i32
    %c0_i32_1 = arith.constant 0 : i32
    return %c0_i32, %c0_i32_0 : i32, i32
  }
  func.func @transform_5(%arg0: i32) -> (i32, i32) {
    %c0_i32 = arith.constant 0 : i32
    %c0_i32_0 = arith.constant 0 : i32
    return %arg0, %c0_i32 : i32, i32
  }
  func.func @transform_6(%arg0: i32) -> (i32, i32) {
    %c0_i32 = arith.constant 0 : i32
    %c0_i32_0 = arith.constant 0 : i32
    %c0_i32_1 = arith.constant 0 : i32
    return %c0_i32, %c0_i32_0 : i32, i32
  }
  func.func @transform_7(%arg0: i32) -> (i32, i32) {
    %c0_i32 = arith.constant 0 : i32
    %c0_i32_0 = arith.constant 0 : i32
    %c0_i32_1 = arith.constant 0 : i32
    return %c0_i32, %c0_i32_0 : i32, i32
  }
}

module attributes {stable_mosaic.version = 14 : i64} {
  func.func @_passC_body(%arg0: i32, %arg1: memref<2048x64xf32, #tpu.memory_space<vmem>>, %arg2: memref<1x64xf32, #tpu.memory_space<vmem>>, %arg3: memref<1x64xf32, #tpu.memory_space<vmem>>, %arg4: memref<128x64xf32, #tpu.memory_space<vmem>>) attributes {dimension_semantics = [#tpu.dimension_semantics<arbitrary>], iteration_bounds = array<i64: 64>, scalar_prefetch = 0 : i64, scratch_operands = 0 : i64, tpu.core_type = #tpu.core_type<tc>, window_params = [{transform_indices = @transform_0, window_bounds = array<i64: 2048, 64>}, {pipeline_mode = #tpu.pipeline_mode<synchronous>, transform_indices = @transform_1, window_bounds = array<i64: 1, 64>}, {pipeline_mode = #tpu.pipeline_mode<synchronous>, transform_indices = @transform_2, window_bounds = array<i64: 1, 64>}, {transform_indices = @transform_3, window_bounds = array<i64: 128, 64>}]} {
    %get3A = arith.constant 0 : index
    %get3A_0 = arith.constant 0 : index
    %get3A_1 = vector.load %arg1[%get3A, %get3A_0] : memref<2048x64xf32, #tpu.memory_space<vmem>>, vector<2048x64xf32>
    %get3A_2 = arith.constant 0 : index
    %get3A_3 = arith.constant 0 : index
    %get3A_4 = vector.load %arg2[%get3A_2, %get3A_3] : memref<1x64xf32, #tpu.memory_space<vmem>>, vector<1x64xf32>
    %mul3A = vector.broadcast %get3A_4 : vector<1x64xf32> to vector<2048x64xf32>
    %mul3A_5 = arith.mulf %get3A_1, %mul3A : vector<2048x64xf32>
    %get3A_6 = arith.constant 0 : index
    %get3A_7 = arith.constant 0 : index
    %get3A_8 = vector.load %arg3[%get3A_6, %get3A_7] : memref<1x64xf32, #tpu.memory_space<vmem>>, vector<1x64xf32>
    %add3A = vector.broadcast %get3A_8 : vector<1x64xf32> to vector<2048x64xf32>
    %add3A_9 = arith.addf %mul3A_5, %add3A : vector<2048x64xf32>
    %max3A = arith.constant 0.000000e+00 : f32
    %max3A_10 = vector.broadcast %max3A : f32 to vector<2048x64xf32>
    %max3A_11 = arith.maximumf %add3A_9, %max3A_10 : vector<2048x64xf32>
    %reshape3A = vector.shape_cast %max3A_11 : vector<2048x64xf32> to vector<128x16x64xf32>
    %reduce_max3A = arith.constant dense<0xFF800000> : vector<128x64xf32>
    %reduce_max3A_12 = vector.multi_reduction <maximumf>, %reshape3A, %reduce_max3A [1] : vector<128x16x64xf32> to vector<128x64xf32>
    %swap3A = arith.constant 0 : index
    %swap3A_13 = arith.constant 0 : index
    %swap3A_14 = vector.load %arg4[%swap3A, %swap3A_13] : memref<128x64xf32, #tpu.memory_space<vmem>>, vector<128x64xf32>
    tpu.vector_store %arg4[%swap3A, %swap3A_13], %reduce_max3A_12 {strides = array<i32>} : memref<128x64xf32, #tpu.memory_space<vmem>>, vector<128x64xf32>,
    return
  }
  func.func @transform_0(%arg0: i32) -> (i32, i32) {
    %c0_i32 = arith.constant 0 : i32
    %c0_i32_0 = arith.constant 0 : i32
    return %arg0, %c0_i32 : i32, i32
  }
  func.func @transform_1(%arg0: i32) -> (i32, i32) {
    %c0_i32 = arith.constant 0 : i32
    %c0_i32_0 = arith.constant 0 : i32
    %c0_i32_1 = arith.constant 0 : i32
    return %c0_i32, %c0_i32_0 : i32, i32
  }
  func.func @transform_2(%arg0: i32) -> (i32, i32) {
    %c0_i32 = arith.constant 0 : i32
    %c0_i32_0 = arith.constant 0 : i32
    %c0_i32_1 = arith.constant 0 : i32
    return %c0_i32, %c0_i32_0 : i32, i32
  }
  func.func @transform_3(%arg0: i32) -> (i32, i32) {
    %c0_i32 = arith.constant 0 : i32
    %c0_i32_0 = arith.constant 0 : i32
    return %arg0, %c0_i32 : i32, i32
  }
}

</mosaic_0001>

<sc_bundles>
// kernel: kernel.8.cloned.1.call-start
scs
__scs_entry_jumppad:
0x0: {  	(pc) =	sbr.rel $0x88, $3  }
0x1: {  	(tag) =	ssettag $0x0;
	lr =	simm.s32 $0x1  }
0x2: {  	[smem:$0x3F97] =	sst lr;
	_ =	strace $0xD0000000  }
0x3: {  	_ = 	snop  }
0x4: {  	_ = 	snop  }
0x5: {  	_ = 	snop  }
0x6: {  	_ = 	snop  }
0x7: {  	_ = 	snop  }
__scs_overlays_trampoline_lowered:
0x8: {  	[smem:$0x3FA6] =	sst s0  }
0x9: {  	[smem:$0x3FA7] =	sst s1  }
0xa: {  	[smem:$0x3FA8] =	sst s2  }
0xb: {  	[smem:$0x3FA9] =	sst s3  }
0xc: {  	[smem:$0x3FAA] =	sst s4  }
0xd: {  	[smem:$0x3FAB] =	sst s5  }
0xe: {  	[smem:$0x3FAC] =	sst s6  }
0xf: {  	[smem:$0x3FAD] =	sst s7  }
0x10: {  	[smem:$0x3FAE] =	sst s8  }
0x11: {  	[smem:$0x3FAF] =	sst s9;
	s0 =	simm.s32 @!p0 $0x0  }
0x12: {  	s1 =	sld [smem:$0x3F95];
	s0 =	simm.s32 @p0 $0x1  }
0x13: {  	[smem:$0x3FB0] =	sst s0;
	s0 =	simm.s32 @!p1 $0x0  }
0x14: {  	s2 =	sld [smem:$0x3F94];
	s0 =	simm.s32 @p1 $0x1  }
0x15: {  	[smem:$0x3FB1] =	sst s0;
	s0 =	simm.s32 @!p2 $0x0  }
0x16: {  	s3 =	sld [smem:$0x3FDB];
	s0 =	simm.s32 @p2 $0x1  }
0x17: {  	s4 =	simm.s32 $0x1BF5;
	[smem:$0x3FB3] =	sst s0  }
0x18: {  	s0 =	sld [smem:$0x3F96];
	_ =	swait.ge [sflag:s4], $0x0  }
0x19: {  	s7 =	sld [smem:$0x3F97]  }
0x1a: {  	s8 =	sadd.s32 $0xFFFFE003, lr  }
0x1b: {  	s9 =	sadd.s32 $0xFFFFFEF7, lr;
	s5 =	simm.s32 $0xFFFFFFFF;
	p2 =	slt.u32 s8, $0xFFFFF086  }
0x1c: {  	p1 =	slt.u32 s9, $0xF7A;
	s5 =	simm.s32 @!p2 $0x0  }
0x1d: {  	s5 =	simm.s32 @p1 $0x1;
	p0 =	seq.s32 s7, s2  }
0x1e: {  	s7 =	smul.u32 @!p0 $0xF7A, s2;
	p2 =	seq.s32 @!p0 s5, $0x0  }
0x1f: {  	s9 =	smul.u32 $0xF7A, s1;
	s8 =	simm.s32 @!p0 $0x1BF5;
	p2 =	por !p2, p0  }
0x20: {  	[sflag:s8] =	ssyncset.s32 @!p0 $0xFFFFF086;
	s6 =	sadd.s32 @!p0 s3, s7;
	s7 =	simm.s32 @!p0 $0x108  }
0x21: {  	s3 =	sadd.s32 s3, s9;
	s6 =	sadd.s32 @!p0 $0x88, s6;
	s7 =	simm.s32 @p2 $0x1082  }
0x22: {  	[simem:s7], [sflag:s8] =	dma.local @!p0 [hbm:s6], $0xF7A  }
0x23: {  	s9 =	sor.u32 $0xD0000000, s2;
	s6 =	simm.s32 $0x108;
	_ =	swait.ge @!p0 [sflag:s8], $0x0  }
0x24: {  	s3 =	sadd.s32 $0x88, s3;
	s6 =	simm.s32 @!p1 $0x1082;
	[sflag:s4] =	ssyncset.s32 $0xFFFFF086  }
0x25: {  	[simem:s6], [sflag:s4] =	dma.local [hbm:s3], $0xF7A  }
0x26: {  	[smem:$0x3F97] =	sst s1;
	(tag) =	ssettag s2;
	_ =	strace s9  }
0x27: {  	s1 =	sld [smem:$0x3FA7]  }
0x28: {  	s2 =	sld [smem:$0x3FA8]  }
0x29: {  	s4 =	sld [smem:$0x3FAA]  }
0x2a: {  	p0 =	seq.s32 s5, $0x0;
	s5 =	sld [smem:$0x3FAB]  }
0x2b: {  	s6 =	sld [smem:$0x3FAC]  }
0x2c: {  	s7 =	sld [smem:$0x3FAD]  }
0x2d: {  	s3 =	simm.s32 $0x108;
	s8 =	sld [smem:$0x3FAE]  }
0x2e: {  	s3 =	simm.s32 @!p0 $0x1082;
	s9 =	sld [smem:$0x3FAF]  }
0x2f: {  	lr =	sadd.s32 s0, s3;
	s0 =	sld [smem:$0x3FA6]  }
0x30: {  	s3 =	sld [smem:$0x3FA9]  }
0x31: {  	[smem:$0x3FB2] =	sst s10  }
0x32: {  	s10 =	sld [smem:$0x3FB0];
	_ =	sdelay $0x3  }
0x33: {  	p0 =	seq.s32 s10, $0x1;
	s10 =	sld [smem:$0x3FB2];
	_ =	sdelay $0x3  }
0x34: {  	[smem:$0x3FB2] =	sst s10  }
0x35: {  	s10 =	sld [smem:$0x3FB1];
	_ =	sdelay $0x3  }
0x36: {  	p1 =	seq.s32 s10, $0x1;
	s10 =	sld [smem:$0x3FB2];
	_ =	sdelay $0x3  }
0x37: {  	[smem:$0x3FB2] =	sst s10  }
0x38: {  	s10 =	sld [smem:$0x3FB3]  }
0x39: {  	_ = 	snop;
	(pc) =	sbr.ind lr, $3  }
0x3a: {  	_ = 	snop  }
0x3b: {  	_ = 	snop  }
0x3c: {  	p2 =	seq.s32 s10, $0x1;
	s10 =	sld [smem:$0x3FB2]  }
0x3d: {  	_ =	shalt  }
0x3e: {  	_ =	shalt  }
0x3f: {  	_ =	shalt  }
0x40: {  	_ =	shalt  }
0x41: {  	_ =	shalt  }
0x42: {  	_ =	shalt  }
0x43: {  	_ =	shalt  }
0x44: {  	_ =	shalt  }
0x45: {  	_ =	shalt  }
0x46: {  	_ =	shalt  }
0x47: {  	_ =	shalt  }
0x48: {  	_ =	shalt  }
0x49: {  	_ =	shalt  }
0x4a: {  	_ =	shalt  }
0x4b: {  	_ =	shalt  }
0x4c: {  	_ =	shalt  }
0x4d: {  	_ =	shalt  }
0x4e: {  	_ =	shalt  }
0x4f: {  	_ =	shalt  }
0x50: {  	_ =	shalt  }
0x51: {  	_ =	shalt  }
0x52: {  	_ =	shalt  }
0x53: {  	_ =	shalt  }
0x54: {  	_ =	shalt  }
0x55: {  	_ =	shalt  }
0x56: {  	_ =	shalt  }
0x57: {  	_ =	shalt  }
0x58: {  	_ =	shalt  }
0x59: {  	_ =	shalt  }
0x5a: {  	_ =	shalt  }
0x5b: {  	_ =	shalt  }
0x5c: {  	_ =	shalt  }
0x5d: {  	_ =	shalt  }
0x5e: {  	_ =	shalt  }
0x5f: {  	_ =	shalt  }
0x60: {  	_ =	shalt  }
0x61: {  	_ =	shalt  }
0x62: {  	_ =	shalt  }
0x63: {  	_ =	shalt  }
0x64: {  	_ =	shalt  }
0x65: {  	_ =	shalt  }
0x66: {  	_ =	shalt  }
0x67: {  	_ =	shalt  }
0x68: {  	_ =	shalt  }
0x69: {  	_ =	shalt  }
0x6a: {  	_ =	shalt  }
0x6b: {  	_ =	shalt  }
0x6c: {  	_ =	shalt  }
0x6d: {  	_ =	shalt  }
0x6e: {  	_ =	shalt  }
0x6f: {  	_ =	shalt  }
0x70: {  	_ =	shalt  }
0x71: {  	_ =	shalt  }
0x72: {  	_ =	shalt  }
0x73: {  	_ =	shalt  }
0x74: {  	_ =	shalt  }
0x75: {  	_ =	shalt  }
0x76: {  	_ =	shalt  }
0x77: {  	_ =	shalt  }
0x78: {  	_ =	shalt  }
0x79: {  	_ =	shalt  }
0x7a: {  	_ =	shalt  }
0x7b: {  	_ =	shalt  }
0x7c: {  	_ =	shalt  }
0x7d: {  	_ =	shalt  }
0x7e: {  	_ =	shalt  }
0x7f: {  	_ =	shalt  }
0x80: {  	_ =	shalt  }
0x81: {  	_ =	shalt  }
0x82: {  	_ =	shalt  }
0x83: {  	_ =	shalt  }
0x84: {  	_ =	shalt  }
0x85: {  	_ =	shalt  }
0x86: {  	_ =	shalt  }
0x87: {  	_ =	shalt  }
.Lfunc_end0:
.L_simem_size_0:
called_computation_lowered:
.L_overlay_start_0:
0x88: {  	s2 =	sld [smem:$0x3FD9]  }
0x89: {  	s3 =	sld [smem:$0x3FFE];
	_ =	sdelay $0x1  }
0x8a: {  	s1 =	srdreg.scid  }
0x8b: {  	s0 =	sand.u32 $0x1, s1  }
0x8c: {  	s14 =	sshll.u32 s0, $0xA;
	s2 =	sadd.s32 s3, s2  }
0x8d: {  	s2 =	sadd.s32 s2, s14  }
0x8e: {  	[smem:$0x3FBE] =	sst s2  }
0x8f: {  	_ = 	snop  }
0x90: {  	s2 =	sld [smem:$0x3FD0];
	_ =	sdelay $0x2  }
0x91: {  	s15 =	simm.s32 $0xA;
	s4 =	simm.s32 $0x10  }
0x92: {  	[smem:s4], [sflag:s15] =	dma.local [hbm:s2], $0x1  }
0x93: {  	_ =	swait.eq [sflag:s15], $0x1  }
0x94: {  	[sflag:s15] =	ssyncset.done $0x0  }
0x95: {  	[sflag:s15] =	ssyncadd.s32 $0xFFFFFFFF  }
0x96: {  	s16 =	sld [smem:$0x11];
	(tm) =	ssettm $0x1  }
0x97: {  	s17 =	sld [smem:$0x3FFB];
	_ =	sdelay $0x3  }
0x98: {  	_ =	strace s17  }
0x99: {  	s3 =	sld [smem:$0x3FFC];
	_ =	sdelay $0x3  }
0x9a: {  	_ =	strace s3  }
0x9b: {  	s3 =	sld [smem:$0x3FFD];
	_ =	sdelay $0x3  }
0x9c: {  	_ =	strace s3  }
0x9d: {  	_ =	strace $0x8FFFFFFF  }
0x9e: {  	s18 =	sld [smem:$0x3FDB];
	_ =	sdelay $0x1  }
0x9f: {  	s19 =	simm.s32 $_scs_section_size  }
0xa0: {  	s5 =	simm.s32 $_size__tile_overlayer_lowered;
	s6 =	simm.s32 $_tile_overlayer_lowered  }
0xa1: {  	s22 =	simm.s32 $0x1BFF;
	s21 =	sshll.u32 s6, $0x1;
	s3 =	sadd.s32 s19, s18  }
0xa2: {  	s7 =	simm.s32 $0x0;
	s20 =	sshll.u32 s5, $0x1;
	s5 =	sadd.s32 s21, s3  }
0xa3: {  	[timem:s7], [sflag:s22] =	dma.local [hbm:s5], s20  }
0xa4: {  	_ =	swait.ge [sflag:s22], s20  }
0xa5: {  	s4 =	ssub.s32 $0x0, s20;
	[sflag:s22] =	ssyncset.done $0x0  }
0xa6: {  	[sflag:s22] =	ssyncadd.s32 s4;
	_ =	sdelay $0x1  }
0xa7: {  	s23 =	simm.s32 $0x1B8B  }
0xa8: {  	_ =	swait.ge [sflag:s23], $0x1  }
0xa9: {  	[sflag:s23] =	ssyncset.done $0x0  }
0xaa: {  	s25 =	simm.s32 $0x1B8E;
	s24 =	sld [smem:$0x3FFE];
	[sflag:s23] =	ssyncadd.s32 $0xFFFFFFFF  }
0xab: {  	s26 =	simm.s32 $execute0_lowered;
	[smem:$0x3FD2] =	sst s25  }
0xac: {  	s5 =	sshll.u32 s26, $0x1;
	_ =	strace $0x80000046;
	[dreg:$0x1] =	wrdreg $0xFFFFFFFF  }
0xad: {  	s28 =	simm.s32 $_size_execute0_lowered;
	s3 =	sadd.s32 s3, s5;
	[dreg:$0x0] =	wrdreg $0x0  }
0xae: {  	s5 =	sshll.u32 s28, $0x1;
	[dreg:$0x2] =	wrdreg s3  }
0xaf: {  	[dreg:$0x3] =	wrdreg s5  }
0xb0: {  	[dreg:$0x4] =	wrdreg $0xC0  }
0xb1: {  	_ =	task [dreg:s7], $0x5FFFF  }
0xb2: {  	[dreg:$0x1] =	wrdreg $0xFFFFFFFF  }
0xb3: {  	[dreg:$0x0] =	wrdreg $0x60  }
0xb4: {  	[dreg:$0x2] =	wrdreg s24  }
0xb5: {  	[dreg:$0x3] =	wrdreg s16  }
0xb6: {  	[dreg:$0x4] =	wrdreg $0x9  }
0xb7: {  	_ =	task.clear_ibuf [dreg:s7], $0x5FFFF;
	_ =	strace $0x90000046  }
0xb8: {  	s29 =	simm.s32 $0x9;
	_ =	strace $0x80000048  }
0xb9: {  	_ =	swait.ge [sflag:s29], $0x1  }
0xba: {  	[sflag:s29] =	ssyncadd.s32 $0xFFFFFFFF  }
0xbb: {  	_ =	strace $0x90000048  }
0xbc: {  	_ =	sfence  }
0xbd: {  	s30 =	sld [smem:$0x0];
	_ =	sdelay $0x2  }
0xbe: {  	s31 =	sshll.u32 s1, $0xD;
	s1 =	sshrl.u32 s1, $0x2  }
0xbf: {  	s3 =	sand.u32 $0x4000, s31;
	s1 =	sadd.s32 s1, s30  }
0xc0: {  	s0 =	sor.u32 s3, s0;
	s1 =	sshll.u32 s1, $0x11  }
0xc1: {  	s0 =	sor.u32 s1, s0  }
0xc2: {  	s0 =	sadd.s32 $0x8F2B, s0  }
0xc3: {  	[sflag:s0] =	ssyncadd.remote.s32 $0x1  }
0xc4: {  	_ =	sfence.sel $0xFFFF  }
0xc5: {  	[dreg:$0x0] =	wrdreg $0xFFFFFFFF;
	(pc) =	sbr.abs _section_cstart, $3  }
0xc6: {  	[dreg:$0x1] =	wrdreg $0xFFFFFFFF  }
0xc7: {  	_ =	task.clear_ibuf [dreg:s7], $0x2FFFF;
	_ =	strace $0x9FFFFFFF  }
0xc8: {  	(tm) =	ssettm $0x7FFFFFFF  }
0xc9: {  	_ =	shalt  }
tec
execute0_lowered:
.L_overlay_start_1:
0x0: {  	(tag) =	ssettag $0x1  }
0x1: {  	s4 =	rddreg [dreg:$0x0]  }
0x2: {  	s5 =	rddreg [dreg:$0x1]  }
0x3: {  	s0 =	rddreg [dreg:$0x2];
	s1 =	simm.s32 $0x0;
	s2 =	srdreg.scid  }
0x4: {  	[smem:$0x7FF] =	sst s1;
	s6 =	sand.u32 $0x1, s2  }
0x5: {  	s2 =	stileid.u32;
	s3 =	sadd.s32 $0x2200, s4;
	_ =	strace $0x80000047  }
0x6: {  	s7 =	ssub.s32 $0x2, s6;
	s8 =	smul.u32 $0xC000, s2;
	s10 =	sshll.u32 s2, $0xA  }
0x7: {  	s11 =	sshll.u32 s6, $0x9;
	s6 =	smul.u32 $0x6000, s6;
	s9 =	sshrl.u32 s7, $0x1  }
0x8: {  	s31 =	sor.u32 s11, s10;
	s10 =	simm.s32 $0x1;
	s11 =	simm.s32 $0x0  }
0x9: {  	s8 =	sadd.s32 s8, s4;
	s7 =	ssub.s32 s7, s9;
	s4 =	sadd.s32 s5, s31  }
0xa: {  	s9 =	simm.s32 $0x1000;
	s5 =	smax.u32 s7, $0x1;
	s6 =	sadd.s32 s6, s8  }
0xb: {  	s7 =	simm.s32 $0x2;
	s8 =	simm.s32 $0x80;
	s6 =	sadd.s32 $0x32200, s6  }
.LBB2_1:
0xc: {  	[tilespmem:s1], [sflag:$0x2] =	stream.linear.gather [hbm4b:s4+s1], $0x1000, $0x38;
	[tilespmem:$0x2800] =	vst v63  }
0xd: {  	_ =	swait.ge [sflag:s7], $0x1000  }
0xe: {  	[sflag:s7] =	ssyncset.done $0x0  }
0xf: {  	s12 =	simm.s32 $0x0;
	[sflag:s7] =	ssyncadd.s32 $0xFFFFF000  }
0x10: {  	[tilespmem:s9], [sflag:$0x1] =	stream.indirect.gather [hbm4b:s3+s8], $0x30, s12, s8, $0xb8;
	[tilespmem:$0x2800] =	vst v63  }
0x11: {  	_ =	swait.ge [sflag:s10], $0x1800  }
0x12: {  	[sflag:s10] =	ssyncset.done $0x0  }
0x13: {  	[sflag:s10] =	ssyncadd.s32 $0xFFFFE800  }
0x14: {  	[hbm4b:s6+s1] =	stream.linear.scatter [tilespmem:s9], [sflag:$0x2], $0x1800, $0x38;
	[tilespmem:$0x2800] =	vst v63  }
0x15: {  	s13 =	simm.s32 $0x200;
	_ =	swait.ge [sflag:s7], $0x1800  }
0x16: {  	s14 =	simm.s32 $0x400;
	s12 =	sadd.s32 $0x300, s6;
	[sflag:s7] =	ssyncset.done $0x0  }
.LBB2_2:
0x17: {  	s15 =	sshra.s32 s13, $0x2  }
0x18: {  	[sflag:s7] =	ssyncadd.s32 $0xFFFFE800;
	s13 =	smov.u32 s14;
	s16 =	sadd.s32 $0x200, s14  }
0x19: {  	[tilespmem:s9], [sflag:$0x1] =	stream.indirect.gather [hbm4b:s3+s8], $0x30, s15, s8, $0xb8;
	[tilespmem:$0x2800] =	vst v63  }
0x1a: {  	p0 =	sne.s32 s14, $0x3E00;
	_ =	swait.ge [sflag:s10], $0x1800  }
.Ltmp0:
0x1b: {  	[sflag:s10] =	ssyncset.done $0x0;
	(pc) =	sbr.rel @p0 .LBB2_2-.Ltmp0, $4  }
0x1c: {  	[sflag:s10] =	ssyncadd.s32 $0xFFFFE800  }
0x1d: {  	[hbm4b:s12+s1] =	stream.linear.scatter [tilespmem:s9], [sflag:$0x2], $0x1800, $0x38;
	[tilespmem:$0x2800] =	vst v63  }
0x1e: {  	_ =	swait.ge [sflag:s7], $0x1800  }
0x1f: {  	s14 =	smov.u32 s16;
	s12 =	sadd.s32 $0x300, s12;
	[sflag:s7] =	ssyncset.done $0x0  }
0x20: {  	s13 =	sshra.s32 s13, $0x2;
	[sflag:s7] =	ssyncadd.s32 $0xFFFFE800  }
0x21: {  	[tilespmem:s9], [sflag:$0x1] =	stream.indirect.gather [hbm4b:s3+s8], $0x30, s13, s8, $0xb8;
	[tilespmem:$0x2800] =	vst v63  }
0x22: {  	s11 =	sadd.s32 $0x1, s11;
	_ =	swait.ge [sflag:s10], $0x1800  }
0x23: {  	p0 =	sne.s32 s11, s5;
	[sflag:s10] =	ssyncset.done $0x0  }
.Ltmp1:
0x24: {  	[sflag:s10] =	ssyncadd.s32 $0xFFFFE800;
	(pc) =	sbr.rel @p0 .LBB2_1-.Ltmp1, $4  }
0x25: {  	[hbm4b:s12+s1] =	stream.linear.scatter [tilespmem:s9], [sflag:$0x2], $0x1800, $0x38;
	[tilespmem:$0x2800] =	vst v63  }
0x26: {  	_ =	swait.ge [sflag:s7], $0x1800  }
0x27: {  	[sflag:s7] =	ssyncset.done $0x0  }
0x28: {  	[sflag:s7] =	ssyncadd.s32 $0xFFFFE800  }
0x29: {  	_ =	sfence.sel $0x180000  }
0x2a: {  	[bflag:$0x0] =	sbarrier.arrive $0xFFFF  }
0x2b: {  	p0 =	sne.s32 s2, $0x0;
	_ =	strace $0x90000047  }
0x2c: {  	s0 =	sadd.s32 @!p0 $0x100000, s0;
	[bflag:$0x2] =	sbarrier.arrive $0xFFFF  }
0x2d: {  	[sflag:s0] =	ssyncadd.tile.s32 @!p0 $0x1;
	_ =	shalt  }
.Lfunc_end2:
_tile_overlayer_lowered:
.L_overlay_start_2:
0x2e: {  	(tag) =	ssettag $0x2  }
0x2f: {  	s0 =	rddreg [dreg:$0x0];
	s2 =	stileid.u32  }
0x30: {  	s1 =	rddreg [dreg:$0x1];
	p0 =	sne.s32 s2, $0x0  }
0x31: {  	s3 =	rddreg [dreg:$0x2];
	[bflag:$0x3] =	sbarrier.arrive $0xFFFF;
	s2 =	simm.s32 @!p0 $0x1C02  }
0x32: {  	[timem:s3], [sflag:s2] =	dma.local @!p0 [hbm:s0], s1  }
0x33: {  	s0 =	simm.s32 @!p0 $0x2  }
0x34: {  	_ =	swait.ge @!p0 [sflag:s0], s1  }
0x35: {  	s1 =	ssub.s32 @!p0 $0x0, s1;
	[sflag:s0] =	ssyncset.done @!p0 $0x0  }
0x36: {  	[sflag:s0] =	ssyncadd.s32 @!p0 s1  }
0x37: {  	[bflag:$0x3] =	sbarrier.arrive $0xFFFF  }
0x38: {  	_ =	shalt  }

</sc_bundles>
